<compile_context>
chip_gen: v7x
topology: tpu7x:2x2x1
jax: 0.10.2.dev20260603
libtpu: 0.0.44.dev20260713+nightly
codegen_flags: <defaults>
</compile_context>

<pallas_src>
import functools

import jax
import jax.numpy as jnp
from jax import lax
from jax.experimental import pallas as pl
from jax.experimental.pallas import tpu as pltpu
from jax.experimental.pallas import tpu_sc as plsc

N = 10000
E = 320000
D = 128

NC = 2
NS = 16
NW = NC * NS
CHUNK = 125
EPT = E // NW
ITERS = EPT // CHUNK
STAGES = 2
SITERS = ITERS // STAGES
PAIRS = SITERS // 2
RA = 632
RB = N - (NS - 1) * RA


def _combine_body(p_ref, o_ref):
    o_ref[...] = p_ref[:N] + p_ref[N:]


def _combine(p):
    return pl.pallas_call(
        _combine_body,
        out_shape=jax.ShapeDtypeStruct((N, D), jnp.float32),
    )(p)


def _combine_mlp_body(p_ref, w1_ref, b1_ref, w2_ref, b2_ref, o_ref):
    h = p_ref[:N] + p_ref[N:]
    h = lax.dot_general(h, w1_ref[...], (((1,), (1,)), ((), ())),
                        preferred_element_type=jnp.float32) + b1_ref[...]
    o_ref[...] = lax.dot_general(h, w2_ref[...], (((1,), (1,)), ((), ())),
                                 preferred_element_type=jnp.float32) + b2_ref[...]


def _combine_mlp(p, W1, b1row, W2, b2row):
    return pl.pallas_call(
        _combine_mlp_body,
        out_shape=jax.ShapeDtypeStruct((N, D), jnp.float32),
    )(p, W1, b1row, W2, b2row)


_MESH = plsc.VectorSubcoreMesh(core_axis_name="c", subcore_axis_name="s")


@functools.partial(
    pl.kernel,
    mesh=_MESH,
    out_type=jax.ShapeDtypeStruct((NC * N, D), jnp.float32),
    scratch_types=[
        pltpu.VMEM((SITERS, CHUNK), jnp.int32),
        pltpu.VMEM((SITERS, CHUNK), jnp.int32),
        pltpu.VMEM((CHUNK, D), jnp.float32),
        pltpu.VMEM((CHUNK, D), jnp.float32),
        pltpu.VMEM_SHARED((N, D), jnp.float32),
        pltpu.SemaphoreType.DMA,
        pltpu.SemaphoreType.DMA,
        pltpu.SemaphoreType.DMA,
    ],
)
def _spmm(src_hbm, dst_hbm, g_hbm, z_hbm, out_hbm,
          sidx, didx, rows0, rows1, acc, sem0, sem1, zsem):
    cid = lax.axis_index("c")
    sid = lax.axis_index("s")
    wid = cid * NS + sid

    @pl.when(sid < NS - 1)
    def _():
        r0 = pl.multiple_of(sid * RA, 8)
        pltpu.async_copy(z_hbm, acc.at[pl.ds(r0, RA)], zsem)

    @pl.when(sid == NS - 1)
    def _():
        pltpu.async_copy(z_hbm.at[pl.ds(0, RB)], acc.at[pl.ds(N - RB, RB)], zsem)

    @pl.when(sid < NS - 1)
    def _():
        r0 = pl.multiple_of(sid * RA, 8)
        pltpu.make_async_copy(z_hbm, acc.at[pl.ds(r0, RA)], zsem).wait()

    @pl.when(sid == NS - 1)
    def _():
        pltpu.make_async_copy(z_hbm.at[pl.ds(0, RB)],
                              acc.at[pl.ds(N - RB, RB)], zsem).wait()

    plsc.subcore_barrier()

    for s in range(STAGES):
        pltpu.sync_copy(src_hbm.at[wid, pl.ds(s * SITERS, SITERS)], sidx)
        pltpu.sync_copy(dst_hbm.at[wid, pl.ds(s * SITERS, SITERS)], didx)
        pltpu.async_copy(g_hbm.at[sidx.at[0]], rows0, sem0)

        def body(p, carry):
            i0 = 2 * p
            pltpu.async_copy(g_hbm.at[sidx.at[i0 + 1]], rows1, sem1)
            pltpu.make_async_copy(g_hbm.at[sidx.at[i0]], rows0, sem0).wait()
            pltpu.sync_copy(rows0, acc.at[didx.at[i0]], add=True)

            @pl.when(p < PAIRS - 1)
            def _():
                pltpu.async_copy(g_hbm.at[sidx.at[i0 + 2]], rows0, sem0)

            pltpu.make_async_copy(g_hbm.at[sidx.at[i0 + 1]], rows1, sem1).wait()
            pltpu.sync_copy(rows1, acc.at[didx.at[i0 + 1]], add=True)
            return carry

        lax.fori_loop(0, PAIRS, body, 0)
    plsc.subcore_barrier()

    @pl.when(sid < NS - 1)
    def _():
        r0 = pl.multiple_of(sid * RA, 8)
        o0 = pl.multiple_of(cid * N + sid * RA, 8)
        pltpu.sync_copy(acc.at[pl.ds(r0, RA)], out_hbm.at[pl.ds(o0, RA)])

    @pl.when(sid == NS - 1)
    def _():
        o0 = pl.multiple_of(cid * N + (N - RB), 8)
        pltpu.sync_copy(acc.at[pl.ds(N - RB, RB)], out_hbm.at[pl.ds(o0, RB)])


def kernel(feat, edge_index, W1, b1, W2, b2):
    src = edge_index[0].reshape(NW, ITERS, CHUNK)
    dst = edge_index[1].reshape(NW, ITERS, CHUNK)
    zeros_slab = jnp.zeros((RA, D), jnp.float32)
    b1row = b1.reshape(1, D)
    b2row = b2.reshape(1, D)

    p = _spmm(src, dst, feat, zeros_slab)
    h1 = _combine(p)
    p2 = _spmm(src, dst, h1, zeros_slab)
    return _combine_mlp(p2, W1, b1row, W2, b2row)

# --- scband reference (transcript-rebuilt; emitter-appended) ---
"""Pipeline reference for scband-linear-mlp-10316511445627 (READ-ONLY COPY).

The authoritative reference and input builder live on the scoring server;
editing this copy changes nothing except your own understanding.
"""

import jax, jax.numpy as jnp
import numpy as np

N = 10000
E = 320000
D_IN = 128
D_HID = 128
N_CLS = 128
K = 2

def setup_inputs(seed: int = 0) -> dict:
    key = jax.random.key(seed)
    k1, k2, k3, k4 = jax.random.split(key, 4)
    feat = jax.random.normal(k1, (N, D_IN), dtype=jnp.float32)
    edge_index = jax.random.randint(k2, (2, E), 0, N, dtype=jnp.int32)
    # SGC fc: Linear(in_feats=128, n_hidden=128), xavier_uniform weight, zero bias
    limit1 = float(np.sqrt(6.0 / (D_IN + D_HID)))
    W1 = jax.random.uniform(k3, (D_HID, D_IN), minval=-limit1, maxval=limit1, dtype=jnp.float32)
    b1 = jnp.zeros((D_HID,), dtype=jnp.float32)
    # final MLP linear (mlp_d=[] so n_mlp=1): Linear(n_hidden=128, n_classes=128), default torch init approximated
    limit2 = float(np.sqrt(1.0 / D_HID))
    W2 = jax.random.uniform(k4, (N_CLS, D_HID), minval=-limit2, maxval=limit2, dtype=jnp.float32)
    b2 = jnp.zeros((N_CLS,), dtype=jnp.float32)
    return {"feat": feat, "edge_index": edge_index, "W1": W1, "b1": b1, "W2": W2, "b2": b2}

def reference(feat, edge_index, W1, b1, W2, b2):
    # LinearMLP.forward with dropout=0 (identity), activation=None, norm=None, mlp_d=[].
    # SGC precompute = mulAdj(adj, K) = adj^(2^(K-1)); applying it to feat equals
    # running the raw-adjacency SpMM 2^(K-1) times.
    src = edge_index[0]
    dst = edge_index[1]
    h = feat
    n_spmm = 2 ** (K - 1)
    for _ in range(n_spmm):
        h = jax.ops.segment_sum(h[src], dst, num_segments=N)
    # SGC fc
    h = h @ W1.T + b1
    # final MLP linear (n_mlp = 1, so no norm/activation/dropout between)
    h = h @ W2.T + b2
    return h

if __name__ == "__main__":
    import jax
    _d = setup_inputs()
    print(jax.jit(kernel)(*tuple(_d.values())))

</pallas_src>

<mosaic_0001>
#map = affine_map<(d0, d1) -> (0, 0, 0)>
#map1 = affine_map<(d0, d1) -> (0, 0)>
module attributes {stable_mosaic.version = 14 : i64} {
  func.func @_spmm(%arg0: i32, %arg1: i32, %arg2: memref<32x80x125xi32, #tpu.memory_space<hbm>>, %arg3: memref<32x80x125xi32, #tpu.memory_space<hbm>>, %arg4: memref<10000x128xf32, #tpu.memory_space<hbm>>, %arg5: memref<632x128xf32, #tpu.memory_space<hbm>>, %arg6: memref<20000x128xf32, #tpu.memory_space<hbm>>, %arg7: memref<40x125xi32, #tpu.memory_space<vmem>>, %arg8: memref<40x125xi32, #tpu.memory_space<vmem>>, %arg9: memref<125x128xf32, #tpu.memory_space<vmem>>, %arg10: memref<125x128xf32, #tpu.memory_space<vmem>>, %arg11: memref<10000x128xf32, #tpu.memory_space<vmem_shared>>, %arg12: memref<!tpu.dma_semaphore, #tpu.memory_space<semaphore_mem>>, %arg13: memref<!tpu.dma_semaphore, #tpu.memory_space<semaphore_mem>>, %arg14: memref<!tpu.dma_semaphore, #tpu.memory_space<semaphore_mem>>) attributes {dimension_semantics = [#tpu.dimension_semantics<core_parallel>, #tpu.dimension_semantics<subcore_parallel>], iteration_bounds = array<i64: 2, 16>, scalar_prefetch = 0 : i64, scratch_operands = 8 : i64, tpu.core_type = #tpu.core_type<sc_vector_subcore>, window_params = [{transform_indices = #map}, {transform_indices = #map}, {transform_indices = #map1}, {transform_indices = #map1}, {transform_indices = #map1}]} {
    %mul3A = arith.constant 16 : i32
    %mul3A_0 = arith.muli %arg0, %mul3A : i32
    %add3A = arith.addi %mul3A_0, %arg1 : i32
    %lt3A = arith.constant 15 : i32
    %lt3A_1 = arith.cmpi slt, %arg1, %lt3A : i32
    %convert_element_type3A = arith.extui %lt3A_1 : i1 to i32
    %cond3A = arith.constant 0 : i32
    %cond3A_2 = arith.cmpi ne, %convert_element_type3A, %cond3A : i32
    scf.if %cond3A_2 {
      %mul3A_52 = arith.constant 632 : i32
      %mul3A_53 = arith.muli %arg1, %mul3A_52 : i32
      %multiple_of3A = tpu.assume_multiple %mul3A_53, 8 : i32
      %dma_start3A_54 = arith.constant 0 : i32
      %dma_start3A_55 = tpu.memref_slice %arg11[%multiple_of3A, %dma_start3A_54] : memref<10000x128xf32, #tpu.memory_space<vmem_shared>> -> memref<632x128xf32, #tpu.memory_space<vmem_shared>>
      tpu.enqueue_dma source(%arg5 : memref<632x128xf32, #tpu.memory_space<hbm>>) target(%dma_start3A_55 : memref<632x128xf32, #tpu.memory_space<vmem_shared>>) target_semaphore(%arg14 : memref<!tpu.dma_semaphore, #tpu.memory_space<semaphore_mem>>)
    } else {
    }
    %eq3A = arith.constant 15 : i32
    %eq3A_3 = arith.cmpi eq, %arg1, %eq3A : i32
    %convert_element_type3A_4 = arith.extui %eq3A_3 : i1 to i32
    %cond3A_5 = arith.constant 0 : i32
    %cond3A_6 = arith.cmpi ne, %convert_element_type3A_4, %cond3A_5 : i32
    scf.if %cond3A_6 {
      %dma_start3A_52 = arith.constant 9480 : i32
      %dma_start3A_53 = arith.constant 0 : i32
      %dma_start3A_54 = tpu.memref_slice %arg11[%dma_start3A_52, %dma_start3A_53] : memref<10000x128xf32, #tpu.memory_space<vmem_shared>> -> memref<520x128xf32, #tpu.memory_space<vmem_shared>>
      %dma_start3A_55 = arith.constant 0 : i32
      %dma_start3A_56 = arith.constant 0 : i32
      %dma_start3A_57 = tpu.memref_slice %arg5[%dma_start3A_55, %dma_start3A_56] : memref<632x128xf32, #tpu.memory_space<hbm>> -> memref<520x128xf32, #tpu.memory_space<hbm>>
      tpu.enqueue_dma source(%dma_start3A_57 : memref<520x128xf32, #tpu.memory_space<hbm>>) target(%dma_start3A_54 : memref<520x128xf32, #tpu.memory_space<vmem_shared>>) target_semaphore(%arg14 : memref<!tpu.dma_semaphore, #tpu.memory_space<semaphore_mem>>)
    } else {
    }
    %lt3A_7 = arith.constant 15 : i32
    %lt3A_8 = arith.cmpi slt, %arg1, %lt3A_7 : i32
    %convert_element_type3A_9 = arith.extui %lt3A_8 : i1 to i32
    %cond3A_10 = arith.constant 0 : i32
    %cond3A_11 = arith.cmpi ne, %convert_element_type3A_9, %cond3A_10 : i32
    scf.if %cond3A_11 {
      %mul3A_52 = arith.constant 632 : i32
      %mul3A_53 = arith.muli %arg1, %mul3A_52 : i32
      %multiple_of3A = tpu.assume_multiple %mul3A_53, 8 : i32
      %dma_wait3A = arith.constant 0 : i32
      %dma_wait3A_54 = tpu.memref_slice %arg11[%multiple_of3A, %dma_wait3A] : memref<10000x128xf32, #tpu.memory_space<vmem_shared>> -> memref<632x128xf32, #tpu.memory_space<vmem_shared>>
      tpu.wait_dma2 semaphore(%arg14 : memref<!tpu.dma_semaphore, #tpu.memory_space<semaphore_mem>>) src(%arg5 : memref<632x128xf32, #tpu.memory_space<hbm>>) dst(%dma_wait3A_54 : memref<632x128xf32, #tpu.memory_space<vmem_shared>>)
    } else {
    }
    %eq3A_12 = arith.constant 15 : i32
    %eq3A_13 = arith.cmpi eq, %arg1, %eq3A_12 : i32
    %convert_element_type3A_14 = arith.extui %eq3A_13 : i1 to i32
    %cond3A_15 = arith.constant 0 : i32
    %cond3A_16 = arith.cmpi ne, %convert_element_type3A_14, %cond3A_15 : i32
    scf.if %cond3A_16 {
      %dma_wait3A = arith.constant 9480 : i32
      %dma_wait3A_52 = arith.constant 0 : i32
      %dma_wait3A_53 = tpu.memref_slice %arg11[%dma_wait3A, %dma_wait3A_52] : memref<10000x128xf32, #tpu.memory_space<vmem_shared>> -> memref<520x128xf32, #tpu.memory_space<vmem_shared>>
      %dma_wait3A_54 = arith.constant 0 : i32
      %dma_wait3A_55 = arith.constant 0 : i32
      %dma_wait3A_56 = tpu.memref_slice %arg5[%dma_wait3A_54, %dma_wait3A_55] : memref<632x128xf32, #tpu.memory_space<hbm>> -> memref<520x128xf32, #tpu.memory_space<hbm>>
      tpu.wait_dma2 semaphore(%arg14 : memref<!tpu.dma_semaphore, #tpu.memory_space<semaphore_mem>>) src(%dma_wait3A_56 : memref<520x128xf32, #tpu.memory_space<hbm>>) dst(%dma_wait3A_53 : memref<520x128xf32, #tpu.memory_space<vmem_shared>>)
    } else {
    }
    %barrier3A = arith.constant 0 : index
    tpu.barrier barrier_id(%barrier3A)
    "tpu.region"() ({
      %run_scoped3A = tpu.sem_alloc : memref<!tpu.dma_semaphore, #tpu.memory_space<semaphore_mem>>
      %dma_start3A_52 = arith.constant 0 : i32
      %dma_start3A_53 = arith.constant 0 : i32
      %dma_start3A_54 = tpu.memref_slice %arg2[%add3A, %dma_start3A_52, %dma_start3A_53] : memref<32x80x125xi32, #tpu.memory_space<hbm>> -> memref<1x40x125xi32, #tpu.memory_space<hbm>>
      %dma_start3A_55 = tpu.memref_squeeze %dma_start3A_54 : memref<1x40x125xi32, #tpu.memory_space<hbm>> -> memref<40x125xi32, #tpu.memory_space<hbm>>
      %dma_start3A_56 = arith.constant 0 : i32
      %dma_start3A_57 = arith.constant 0 : i32
      %dma_start3A_58 = tpu.memref_slice %arg2[%add3A, %dma_start3A_56, %dma_start3A_57] : memref<32x80x125xi32, #tpu.memory_space<hbm>> -> memref<1x40x125xi32, #tpu.memory_space<hbm>>
      %dma_start3A_59 = tpu.memref_squeeze %dma_start3A_58 : memref<1x40x125xi32, #tpu.memory_space<hbm>> -> memref<40x125xi32, #tpu.memory_space<hbm>>
      tpu.enqueue_dma source(%dma_start3A_59 : memref<40x125xi32, #tpu.memory_space<hbm>>) target(%arg7 : memref<40x125xi32, #tpu.memory_space<vmem>>) target_semaphore(%run_scoped3A : memref<!tpu.dma_semaphore, #tpu.memory_space<semaphore_mem>>)
      %dma_wait3A = arith.constant 0 : i32
      %dma_wait3A_60 = arith.constant 0 : i32
      %dma_wait3A_61 = tpu.memref_slice %arg2[%add3A, %dma_wait3A, %dma_wait3A_60] : memref<32x80x125xi32, #tpu.memory_space<hbm>> -> memref<1x40x125xi32, #tpu.memory_space<hbm>>
      %dma_wait3A_62 = tpu.memref_squeeze %dma_wait3A_61 : memref<1x40x125xi32, #tpu.memory_space<hbm>> -> memref<40x125xi32, #tpu.memory_space<hbm>>
      %dma_wait3A_63 = arith.constant 0 : i32
      %dma_wait3A_64 = arith.constant 0 : i32
      %dma_wait3A_65 = tpu.memref_slice %arg2[%add3A, %dma_wait3A_63, %dma_wait3A_64] : memref<32x80x125xi32, #tpu.memory_space<hbm>> -> memref<1x40x125xi32, #tpu.memory_space<hbm>>
      %dma_wait3A_66 = tpu.memref_squeeze %dma_wait3A_65 : memref<1x40x125xi32, #tpu.memory_space<hbm>> -> memref<40x125xi32, #tpu.memory_space<hbm>>
      tpu.wait_dma2 semaphore(%run_scoped3A : memref<!tpu.dma_semaphore, #tpu.memory_space<semaphore_mem>>) src(%dma_wait3A_66 : memref<40x125xi32, #tpu.memory_space<hbm>>) dst(%arg7 : memref<40x125xi32, #tpu.memory_space<vmem>>)
      tpu.yield
    }) : () -> ()
    "tpu.region"() ({
      %run_scoped3A = tpu.sem_alloc : memref<!tpu.dma_semaphore, #tpu.memory_space<semaphore_mem>>
      %dma_start3A_52 = arith.constant 0 : i32
      %dma_start3A_53 = arith.constant 0 : i32
      %dma_start3A_54 = tpu.memref_slice %arg3[%add3A, %dma_start3A_52, %dma_start3A_53] : memref<32x80x125xi32, #tpu.memory_space<hbm>> -> memref<1x40x125xi32, #tpu.memory_space<hbm>>
      %dma_start3A_55 = tpu.memref_squeeze %dma_start3A_54 : memref<1x40x125xi32, #tpu.memory_space<hbm>> -> memref<40x125xi32, #tpu.memory_space<hbm>>
      %dma_start3A_56 = arith.constant 0 : i32
      %dma_start3A_57 = arith.constant 0 : i32
      %dma_start3A_58 = tpu.memref_slice %arg3[%add3A, %dma_start3A_56, %dma_start3A_57] : memref<32x80x125xi32, #tpu.memory_space<hbm>> -> memref<1x40x125xi32, #tpu.memory_space<hbm>>
      %dma_start3A_59 = tpu.memref_squeeze %dma_start3A_58 : memref<1x40x125xi32, #tpu.memory_space<hbm>> -> memref<40x125xi32, #tpu.memory_space<hbm>>
      tpu.enqueue_dma source(%dma_start3A_59 : memref<40x125xi32, #tpu.memory_space<hbm>>) target(%arg8 : memref<40x125xi32, #tpu.memory_space<vmem>>) target_semaphore(%run_scoped3A : memref<!tpu.dma_semaphore, #tpu.memory_space<semaphore_mem>>)
      %dma_wait3A = arith.constant 0 : i32
      %dma_wait3A_60 = arith.constant 0 : i32
      %dma_wait3A_61 = tpu.memref_slice %arg3[%add3A, %dma_wait3A, %dma_wait3A_60] : memref<32x80x125xi32, #tpu.memory_space<hbm>> -> memref<1x40x125xi32, #tpu.memory_space<hbm>>
      %dma_wait3A_62 = tpu.memref_squeeze %dma_wait3A_61 : memref<1x40x125xi32, #tpu.memory_space<hbm>> -> memref<40x125xi32, #tpu.memory_space<hbm>>
      %dma_wait3A_63 = arith.constant 0 : i32
      %dma_wait3A_64 = arith.constant 0 : i32
      %dma_wait3A_65 = tpu.memref_slice %arg3[%add3A, %dma_wait3A_63, %dma_wait3A_64] : memref<32x80x125xi32, #tpu.memory_space<hbm>> -> memref<1x40x125xi32, #tpu.memory_space<hbm>>
      %dma_wait3A_66 = tpu.memref_squeeze %dma_wait3A_65 : memref<1x40x125xi32, #tpu.memory_space<hbm>> -> memref<40x125xi32, #tpu.memory_space<hbm>>
      tpu.wait_dma2 semaphore(%run_scoped3A : memref<!tpu.dma_semaphore, #tpu.memory_space<semaphore_mem>>) src(%dma_wait3A_66 : memref<40x125xi32, #tpu.memory_space<hbm>>) dst(%arg8 : memref<40x125xi32, #tpu.memory_space<vmem>>)
      tpu.yield
    }) : () -> ()
    %dma_start3A = arith.constant 0 : i32
    %dma_start3A_17 = arith.constant 0 : i32
    %dma_start3A_18 = tpu.memref_slice %arg7[%dma_start3A, %dma_start3A_17] : memref<40x125xi32, #tpu.memory_space<vmem>> -> memref<1x125xi32, #tpu.memory_space<vmem>>
    %dma_start3A_19 = tpu.memref_squeeze %dma_start3A_18 : memref<1x125xi32, #tpu.memory_space<vmem>> -> memref<125xi32, #tpu.memory_space<vmem>>
    %dma_start3A_20 = arith.constant 0 : i32
    %dma_start3A_21 = arith.constant 0 : i32
    %dma_start3A_22 = tpu.memref_slice %arg4[%dma_start3A_20, %dma_start3A_21] : memref<10000x128xf32, #tpu.memory_space<hbm>> -> memref<10000x128xf32, #tpu.memory_space<hbm>>
    tpu.enqueue_indirect_dma source(%dma_start3A_22 : memref<10000x128xf32, #tpu.memory_space<hbm>>) target(%arg9 : memref<125x128xf32, #tpu.memory_space<vmem>>) offsets(%dma_start3A_19 : memref<125xi32, #tpu.memory_space<vmem>>) semaphore(%arg12 : memref<!tpu.dma_semaphore, #tpu.memory_space<semaphore_mem>>)
    %scan3A = arith.constant 0 : i32
    %scan3A_23 = arith.constant 0 : i32
    %scan3A_24 = arith.constant 20 : i32
    %scan3A_25 = arith.addi %scan3A_23, %scan3A_24 : i32
    %scan3A_26 = arith.constant 1 : i32
    scf.for %scan3A_52 = %scan3A_23 to %scan3A_25 step %scan3A_26  : i32 {
      %mul3A_53 = arith.constant 2 : i32
      %mul3A_54 = arith.muli %mul3A_53, %scan3A_52 : i32
      %add3A_55 = arith.constant 1 : i32
      %add3A_56 = arith.addi %mul3A_54, %add3A_55 : i32
      %dma_start3A_57 = arith.constant 0 : i32
      %dma_start3A_58 = tpu.memref_slice %arg7[%add3A_56, %dma_start3A_57] : memref<40x125xi32, #tpu.memory_space<vmem>> -> memref<1x125xi32, #tpu.memory_space<vmem>>
      %dma_start3A_59 = tpu.memref_squeeze %dma_start3A_58 : memref<1x125xi32, #tpu.memory_space<vmem>> -> memref<125xi32, #tpu.memory_space<vmem>>
      %dma_start3A_60 = arith.constant 0 : i32
      %dma_start3A_61 = arith.constant 0 : i32
      %dma_start3A_62 = tpu.memref_slice %arg4[%dma_start3A_60, %dma_start3A_61] : memref<10000x128xf32, #tpu.memory_space<hbm>> -> memref<10000x128xf32, #tpu.memory_space<hbm>>
      tpu.enqueue_indirect_dma source(%dma_start3A_62 : memref<10000x128xf32, #tpu.memory_space<hbm>>) target(%arg10 : memref<125x128xf32, #tpu.memory_space<vmem>>) offsets(%dma_start3A_59 : memref<125xi32, #tpu.memory_space<vmem>>) semaphore(%arg13 : memref<!tpu.dma_semaphore, #tpu.memory_space<semaphore_mem>>)
      %dma_wait3A = arith.constant 0 : i32
      %dma_wait3A_63 = tpu.memref_slice %arg7[%mul3A_54, %dma_wait3A] : memref<40x125xi32, #tpu.memory_space<vmem>> -> memref<1x125xi32, #tpu.memory_space<vmem>>
      %dma_wait3A_64 = tpu.memref_squeeze %dma_wait3A_63 : memref<1x125xi32, #tpu.memory_space<vmem>> -> memref<125xi32, #tpu.memory_space<vmem>>
      %dma_wait3A_65 = arith.constant 0 : i32
      %dma_wait3A_66 = arith.constant 0 : i32
      %dma_wait3A_67 = tpu.memref_slice %arg4[%dma_wait3A_65, %dma_wait3A_66] : memref<10000x128xf32, #tpu.memory_space<hbm>> -> memref<10000x128xf32, #tpu.memory_space<hbm>>
      tpu.wait_indirect_dma semaphore(%arg12 : memref<!tpu.dma_semaphore, #tpu.memory_space<semaphore_mem>>) src(%dma_wait3A_67 : memref<10000x128xf32, #tpu.memory_space<hbm>>) dst(%arg9 : memref<125x128xf32, #tpu.memory_space<vmem>>)
      "tpu.region"() ({
        %run_scoped3A = tpu.sem_alloc : memref<!tpu.dma_semaphore, #tpu.memory_space<semaphore_mem>>
        %dma_start3A_83 = arith.constant 0 : i32
        %dma_start3A_84 = tpu.memref_slice %arg8[%mul3A_54, %dma_start3A_83] : memref<40x125xi32, #tpu.memory_space<vmem>> -> memref<1x125xi32, #tpu.memory_space<vmem>>
        %dma_start3A_85 = tpu.memref_squeeze %dma_start3A_84 : memref<1x125xi32, #tpu.memory_space<vmem>> -> memref<125xi32, #tpu.memory_space<vmem>>
        %dma_start3A_86 = arith.constant 0 : i32
        %dma_start3A_87 = arith.constant 0 : i32
        %dma_start3A_88 = tpu.memref_slice %arg11[%dma_start3A_86, %dma_start3A_87] : memref<10000x128xf32, #tpu.memory_space<vmem_shared>> -> memref<10000x128xf32, #tpu.memory_space<vmem_shared>>
        tpu.enqueue_indirect_dma source(%arg9 : memref<125x128xf32, #tpu.memory_space<vmem>>) target(%dma_start3A_88 : memref<10000x128xf32, #tpu.memory_space<vmem_shared>>) offsets(%dma_start3A_85 : memref<125xi32, #tpu.memory_space<vmem>>) semaphore(%run_scoped3A : memref<!tpu.dma_semaphore, #tpu.memory_space<semaphore_mem>>) {add = true}
        %dma_wait3A_89 = arith.constant 0 : i32
        %dma_wait3A_90 = tpu.memref_slice %arg8[%mul3A_54, %dma_wait3A_89] : memref<40x125xi32, #tpu.memory_space<vmem>> -> memref<1x125xi32, #tpu.memory_space<vmem>>
        %dma_wait3A_91 = tpu.memref_squeeze %dma_wait3A_90 : memref<1x125xi32, #tpu.memory_space<vmem>> -> memref<125xi32, #tpu.memory_space<vmem>>
        %dma_wait3A_92 = arith.constant 0 : i32
        %dma_wait3A_93 = arith.constant 0 : i32
        %dma_wait3A_94 = tpu.memref_slice %arg11[%dma_wait3A_92, %dma_wait3A_93] : memref<10000x128xf32, #tpu.memory_space<vmem_shared>> -> memref<10000x128xf32, #tpu.memory_space<vmem_shared>>
        tpu.wait_indirect_dma semaphore(%run_scoped3A : memref<!tpu.dma_semaphore, #tpu.memory_space<semaphore_mem>>) src(%arg9 : memref<125x128xf32, #tpu.memory_space<vmem>>) dst(%dma_wait3A_94 : memref<10000x128xf32, #tpu.memory_space<vmem_shared>>)
        tpu.yield
      }) : () -> ()
      %lt3A_68 = arith.constant 19 : i32
      %lt3A_69 = arith.cmpi slt, %scan3A_52, %lt3A_68 : i32
      %convert_element_type3A_70 = arith.extui %lt3A_69 : i1 to i32
      %cond3A_71 = arith.constant 0 : i32
      %cond3A_72 = arith.cmpi ne, %convert_element_type3A_70, %cond3A_71 : i32
      scf.if %cond3A_72 {
        %add3A_83 = arith.constant 2 : i32
        %add3A_84 = arith.addi %mul3A_54, %add3A_83 : i32
        %dma_start3A_85 = arith.constant 0 : i32
        %dma_start3A_86 = tpu.memref_slice %arg7[%add3A_84, %dma_start3A_85] : memref<40x125xi32, #tpu.memory_space<vmem>> -> memref<1x125xi32, #tpu.memory_space<vmem>>
        %dma_start3A_87 = tpu.memref_squeeze %dma_start3A_86 : memref<1x125xi32, #tpu.memory_space<vmem>> -> memref<125xi32, #tpu.memory_space<vmem>>
        %dma_start3A_88 = arith.constant 0 : i32
        %dma_start3A_89 = arith.constant 0 : i32
        %dma_start3A_90 = tpu.memref_slice %arg4[%dma_start3A_88, %dma_start3A_89] : memref<10000x128xf32, #tpu.memory_space<hbm>> -> memref<10000x128xf32, #tpu.memory_space<hbm>>
        tpu.enqueue_indirect_dma source(%dma_start3A_90 : memref<10000x128xf32, #tpu.memory_space<hbm>>) target(%arg9 : memref<125x128xf32, #tpu.memory_space<vmem>>) offsets(%dma_start3A_87 : memref<125xi32, #tpu.memory_space<vmem>>) semaphore(%arg12 : memref<!tpu.dma_semaphore, #tpu.memory_space<semaphore_mem>>)
      } else {
      }
      %add3A_73 = arith.constant 1 : i32
      %add3A_74 = arith.addi %mul3A_54, %add3A_73 : i32
      %dma_wait3A_75 = arith.constant 0 : i32
      %dma_wait3A_76 = tpu.memref_slice %arg7[%add3A_74, %dma_wait3A_75] : memref<40x125xi32, #tpu.memory_space<vmem>> -> memref<1x125xi32, #tpu.memory_space<vmem>>
      %dma_wait3A_77 = tpu.memref_squeeze %dma_wait3A_76 : memref<1x125xi32, #tpu.memory_space<vmem>> -> memref<125xi32, #tpu.memory_space<vmem>>
      %dma_wait3A_78 = arith.constant 0 : i32
      %dma_wait3A_79 = arith.constant 0 : i32
      %dma_wait3A_80 = tpu.memref_slice %arg4[%dma_wait3A_78, %dma_wait3A_79] : memref<10000x128xf32, #tpu.memory_space<hbm>> -> memref<10000x128xf32, #tpu.memory_space<hbm>>
      tpu.wait_indirect_dma semaphore(%arg13 : memref<!tpu.dma_semaphore, #tpu.memory_space<semaphore_mem>>) src(%dma_wait3A_80 : memref<10000x128xf32, #tpu.memory_space<hbm>>) dst(%arg10 : memref<125x128xf32, #tpu.memory_space<vmem>>)
      %add3A_81 = arith.constant 1 : i32
      %add3A_82 = arith.addi %mul3A_54, %add3A_81 : i32
      "tpu.region"() ({
        %run_scoped3A = tpu.sem_alloc : memref<!tpu.dma_semaphore, #tpu.memory_space<semaphore_mem>>
        %dma_start3A_83 = arith.constant 0 : i32
        %dma_start3A_84 = tpu.memref_slice %arg8[%add3A_82, %dma_start3A_83] : memref<40x125xi32, #tpu.memory_space<vmem>> -> memref<1x125xi32, #tpu.memory_space<vmem>>
        %dma_start3A_85 = tpu.memref_squeeze %dma_start3A_84 : memref<1x125xi32, #tpu.memory_space<vmem>> -> memref<125xi32, #tpu.memory_space<vmem>>
        %dma_start3A_86 = arith.constant 0 : i32
        %dma_start3A_87 = arith.constant 0 : i32
        %dma_start3A_88 = tpu.memref_slice %arg11[%dma_start3A_86, %dma_start3A_87] : memref<10000x128xf32, #tpu.memory_space<vmem_shared>> -> memref<10000x128xf32, #tpu.memory_space<vmem_shared>>
        tpu.enqueue_indirect_dma source(%arg10 : memref<125x128xf32, #tpu.memory_space<vmem>>) target(%dma_start3A_88 : memref<10000x128xf32, #tpu.memory_space<vmem_shared>>) offsets(%dma_start3A_85 : memref<125xi32, #tpu.memory_space<vmem>>) semaphore(%run_scoped3A : memref<!tpu.dma_semaphore, #tpu.memory_space<semaphore_mem>>) {add = true}
        %dma_wait3A_89 = arith.constant 0 : i32
        %dma_wait3A_90 = tpu.memref_slice %arg8[%add3A_82, %dma_wait3A_89] : memref<40x125xi32, #tpu.memory_space<vmem>> -> memref<1x125xi32, #tpu.memory_space<vmem>>
        %dma_wait3A_91 = tpu.memref_squeeze %dma_wait3A_90 : memref<1x125xi32, #tpu.memory_space<vmem>> -> memref<125xi32, #tpu.memory_space<vmem>>
        %dma_wait3A_92 = arith.constant 0 : i32
        %dma_wait3A_93 = arith.constant 0 : i32
        %dma_wait3A_94 = tpu.memref_slice %arg11[%dma_wait3A_92, %dma_wait3A_93] : memref<10000x128xf32, #tpu.memory_space<vmem_shared>> -> memref<10000x128xf32, #tpu.memory_space<vmem_shared>>
        tpu.wait_indirect_dma semaphore(%run_scoped3A : memref<!tpu.dma_semaphore, #tpu.memory_space<semaphore_mem>>) src(%arg10 : memref<125x128xf32, #tpu.memory_space<vmem>>) dst(%dma_wait3A_94 : memref<10000x128xf32, #tpu.memory_space<vmem_shared>>)
        tpu.yield
      }) : () -> ()
    }
    %scan3A_27 = arith.constant 20 : i32
    "tpu.region"() ({
      %run_scoped3A = tpu.sem_alloc : memref<!tpu.dma_semaphore, #tpu.memory_space<semaphore_mem>>
      %dma_start3A_52 = arith.constant 40 : i32
      %dma_start3A_53 = arith.constant 0 : i32
      %dma_start3A_54 = tpu.memref_slice %arg2[%add3A, %dma_start3A_52, %dma_start3A_53] : memref<32x80x125xi32, #tpu.memory_space<hbm>> -> memref<1x40x125xi32, #tpu.memory_space<hbm>>
      %dma_start3A_55 = tpu.memref_squeeze %dma_start3A_54 : memref<1x40x125xi32, #tpu.memory_space<hbm>> -> memref<40x125xi32, #tpu.memory_space<hbm>>
      %dma_start3A_56 = arith.constant 40 : i32
      %dma_start3A_57 = arith.constant 0 : i32
      %dma_start3A_58 = tpu.memref_slice %arg2[%add3A, %dma_start3A_56, %dma_start3A_57] : memref<32x80x125xi32, #tpu.memory_space<hbm>> -> memref<1x40x125xi32, #tpu.memory_space<hbm>>
      %dma_start3A_59 = tpu.memref_squeeze %dma_start3A_58 : memref<1x40x125xi32, #tpu.memory_space<hbm>> -> memref<40x125xi32, #tpu.memory_space<hbm>>
      tpu.enqueue_dma source(%dma_start3A_59 : memref<40x125xi32, #tpu.memory_space<hbm>>) target(%arg7 : memref<40x125xi32, #tpu.memory_space<vmem>>) target_semaphore(%run_scoped3A : memref<!tpu.dma_semaphore, #tpu.memory_space<semaphore_mem>>)
      %dma_wait3A = arith.constant 40 : i32
      %dma_wait3A_60 = arith.constant 0 : i32
      %dma_wait3A_61 = tpu.memref_slice %arg2[%add3A, %dma_wait3A, %dma_wait3A_60] : memref<32x80x125xi32, #tpu.memory_space<hbm>> -> memref<1x40x125xi32, #tpu.memory_space<hbm>>
      %dma_wait3A_62 = tpu.memref_squeeze %dma_wait3A_61 : memref<1x40x125xi32, #tpu.memory_space<hbm>> -> memref<40x125xi32, #tpu.memory_space<hbm>>
      %dma_wait3A_63 = arith.constant 40 : i32
      %dma_wait3A_64 = arith.constant 0 : i32
      %dma_wait3A_65 = tpu.memref_slice %arg2[%add3A, %dma_wait3A_63, %dma_wait3A_64] : memref<32x80x125xi32, #tpu.memory_space<hbm>> -> memref<1x40x125xi32, #tpu.memory_space<hbm>>
      %dma_wait3A_66 = tpu.memref_squeeze %dma_wait3A_65 : memref<1x40x125xi32, #tpu.memory_space<hbm>> -> memref<40x125xi32, #tpu.memory_space<hbm>>
      tpu.wait_dma2 semaphore(%run_scoped3A : memref<!tpu.dma_semaphore, #tpu.memory_space<semaphore_mem>>) src(%dma_wait3A_66 : memref<40x125xi32, #tpu.memory_space<hbm>>) dst(%arg7 : memref<40x125xi32, #tpu.memory_space<vmem>>)
      tpu.yield
    }) : () -> ()
    "tpu.region"() ({
      %run_scoped3A = tpu.sem_alloc : memref<!tpu.dma_semaphore, #tpu.memory_space<semaphore_mem>>
      %dma_start3A_52 = arith.constant 40 : i32
      %dma_start3A_53 = arith.constant 0 : i32
      %dma_start3A_54 = tpu.memref_slice %arg3[%add3A, %dma_start3A_52, %dma_start3A_53] : memref<32x80x125xi32, #tpu.memory_space<hbm>> -> memref<1x40x125xi32, #tpu.memory_space<hbm>>
      %dma_start3A_55 = tpu.memref_squeeze %dma_start3A_54 : memref<1x40x125xi32, #tpu.memory_space<hbm>> -> memref<40x125xi32, #tpu.memory_space<hbm>>
      %dma_start3A_56 = arith.constant 40 : i32
      %dma_start3A_57 = arith.constant 0 : i32
      %dma_start3A_58 = tpu.memref_slice %arg3[%add3A, %dma_start3A_56, %dma_start3A_57] : memref<32x80x125xi32, #tpu.memory_space<hbm>> -> memref<1x40x125xi32, #tpu.memory_space<hbm>>
      %dma_start3A_59 = tpu.memref_squeeze %dma_start3A_58 : memref<1x40x125xi32, #tpu.memory_space<hbm>> -> memref<40x125xi32, #tpu.memory_space<hbm>>
      tpu.enqueue_dma source(%dma_start3A_59 : memref<40x125xi32, #tpu.memory_space<hbm>>) target(%arg8 : memref<40x125xi32, #tpu.memory_space<vmem>>) target_semaphore(%run_scoped3A : memref<!tpu.dma_semaphore, #tpu.memory_space<semaphore_mem>>)
      %dma_wait3A = arith.constant 40 : i32
      %dma_wait3A_60 = arith.constant 0 : i32
      %dma_wait3A_61 = tpu.memref_slice %arg3[%add3A, %dma_wait3A, %dma_wait3A_60] : memref<32x80x125xi32, #tpu.memory_space<hbm>> -> memref<1x40x125xi32, #tpu.memory_space<hbm>>
      %dma_wait3A_62 = tpu.memref_squeeze %dma_wait3A_61 : memref<1x40x125xi32, #tpu.memory_space<hbm>> -> memref<40x125xi32, #tpu.memory_space<hbm>>
      %dma_wait3A_63 = arith.constant 40 : i32
      %dma_wait3A_64 = arith.constant 0 : i32
      %dma_wait3A_65 = tpu.memref_slice %arg3[%add3A, %dma_wait3A_63, %dma_wait3A_64] : memref<32x80x125xi32, #tpu.memory_space<hbm>> -> memref<1x40x125xi32, #tpu.memory_space<hbm>>
      %dma_wait3A_66 = tpu.memref_squeeze %dma_wait3A_65 : memref<1x40x125xi32, #tpu.memory_space<hbm>> -> memref<40x125xi32, #tpu.memory_space<hbm>>
      tpu.wait_dma2 semaphore(%run_scoped3A : memref<!tpu.dma_semaphore, #tpu.memory_space<semaphore_mem>>) src(%dma_wait3A_66 : memref<40x125xi32, #tpu.memory_space<hbm>>) dst(%arg8 : memref<40x125xi32, #tpu.memory_space<vmem>>)
      tpu.yield
    }) : () -> ()
    %dma_start3A_28 = arith.constant 0 : i32
    %dma_start3A_29 = arith.constant 0 : i32
    %dma_start3A_30 = tpu.memref_slice %arg7[%dma_start3A_28, %dma_start3A_29] : memref<40x125xi32, #tpu.memory_space<vmem>> -> memref<1x125xi32, #tpu.memory_space<vmem>>
    %dma_start3A_31 = tpu.memref_squeeze %dma_start3A_30 : memref<1x125xi32, #tpu.memory_space<vmem>> -> memref<125xi32, #tpu.memory_space<vmem>>
    %dma_start3A_32 = arith.constant 0 : i32
    %dma_start3A_33 = arith.constant 0 : i32
    %dma_start3A_34 = tpu.memref_slice %arg4[%dma_start3A_32, %dma_start3A_33] : memref<10000x128xf32, #tpu.memory_space<hbm>> -> memref<10000x128xf32, #tpu.memory_space<hbm>>
    tpu.enqueue_indirect_dma source(%dma_start3A_34 : memref<10000x128xf32, #tpu.memory_space<hbm>>) target(%arg9 : memref<125x128xf32, #tpu.memory_space<vmem>>) offsets(%dma_start3A_31 : memref<125xi32, #tpu.memory_space<vmem>>) semaphore(%arg12 : memref<!tpu.dma_semaphore, #tpu.memory_space<semaphore_mem>>)
    %scan3A_35 = arith.constant 0 : i32
    %scan3A_36 = arith.constant 0 : i32
    %scan3A_37 = arith.constant 20 : i32
    %scan3A_38 = arith.addi %scan3A_36, %scan3A_37 : i32
    %scan3A_39 = arith.constant 1 : i32
    scf.for %scan3A_52 = %scan3A_36 to %scan3A_38 step %scan3A_39  : i32 {
      %mul3A_53 = arith.constant 2 : i32
      %mul3A_54 = arith.muli %mul3A_53, %scan3A_52 : i32
      %add3A_55 = arith.constant 1 : i32
      %add3A_56 = arith.addi %mul3A_54, %add3A_55 : i32
      %dma_start3A_57 = arith.constant 0 : i32
      %dma_start3A_58 = tpu.memref_slice %arg7[%add3A_56, %dma_start3A_57] : memref<40x125xi32, #tpu.memory_space<vmem>> -> memref<1x125xi32, #tpu.memory_space<vmem>>
      %dma_start3A_59 = tpu.memref_squeeze %dma_start3A_58 : memref<1x125xi32, #tpu.memory_space<vmem>> -> memref<125xi32, #tpu.memory_space<vmem>>
      %dma_start3A_60 = arith.constant 0 : i32
      %dma_start3A_61 = arith.constant 0 : i32
      %dma_start3A_62 = tpu.memref_slice %arg4[%dma_start3A_60, %dma_start3A_61] : memref<10000x128xf32, #tpu.memory_space<hbm>> -> memref<10000x128xf32, #tpu.memory_space<hbm>>
      tpu.enqueue_indirect_dma source(%dma_start3A_62 : memref<10000x128xf32, #tpu.memory_space<hbm>>) target(%arg10 : memref<125x128xf32, #tpu.memory_space<vmem>>) offsets(%dma_start3A_59 : memref<125xi32, #tpu.memory_space<vmem>>) semaphore(%arg13 : memref<!tpu.dma_semaphore, #tpu.memory_space<semaphore_mem>>)
      %dma_wait3A = arith.constant 0 : i32
      %dma_wait3A_63 = tpu.memref_slice %arg7[%mul3A_54, %dma_wait3A] : memref<40x125xi32, #tpu.memory_space<vmem>> -> memref<1x125xi32, #tpu.memory_space<vmem>>
      %dma_wait3A_64 = tpu.memref_squeeze %dma_wait3A_63 : memref<1x125xi32, #tpu.memory_space<vmem>> -> memref<125xi32, #tpu.memory_space<vmem>>
      %dma_wait3A_65 = arith.constant 0 : i32
      %dma_wait3A_66 = arith.constant 0 : i32
      %dma_wait3A_67 = tpu.memref_slice %arg4[%dma_wait3A_65, %dma_wait3A_66] : memref<10000x128xf32, #tpu.memory_space<hbm>> -> memref<10000x128xf32, #tpu.memory_space<hbm>>
      tpu.wait_indirect_dma semaphore(%arg12 : memref<!tpu.dma_semaphore, #tpu.memory_space<semaphore_mem>>) src(%dma_wait3A_67 : memref<10000x128xf32, #tpu.memory_space<hbm>>) dst(%arg9 : memref<125x128xf32, #tpu.memory_space<vmem>>)
      "tpu.region"() ({
        %run_scoped3A = tpu.sem_alloc : memref<!tpu.dma_semaphore, #tpu.memory_space<semaphore_mem>>
        %dma_start3A_83 = arith.constant 0 : i32
        %dma_start3A_84 = tpu.memref_slice %arg8[%mul3A_54, %dma_start3A_83] : memref<40x125xi32, #tpu.memory_space<vmem>> -> memref<1x125xi32, #tpu.memory_space<vmem>>
        %dma_start3A_85 = tpu.memref_squeeze %dma_start3A_84 : memref<1x125xi32, #tpu.memory_space<vmem>> -> memref<125xi32, #tpu.memory_space<vmem>>
        %dma_start3A_86 = arith.constant 0 : i32
        %dma_start3A_87 = arith.constant 0 : i32
        %dma_start3A_88 = tpu.memref_slice %arg11[%dma_start3A_86, %dma_start3A_87] : memref<10000x128xf32, #tpu.memory_space<vmem_shared>> -> memref<10000x128xf32, #tpu.memory_space<vmem_shared>>
        tpu.enqueue_indirect_dma source(%arg9 : memref<125x128xf32, #tpu.memory_space<vmem>>) target(%dma_start3A_88 : memref<10000x128xf32, #tpu.memory_space<vmem_shared>>) offsets(%dma_start3A_85 : memref<125xi32, #tpu.memory_space<vmem>>) semaphore(%run_scoped3A : memref<!tpu.dma_semaphore, #tpu.memory_space<semaphore_mem>>) {add = true}
        %dma_wait3A_89 = arith.constant 0 : i32
        %dma_wait3A_90 = tpu.memref_slice %arg8[%mul3A_54, %dma_wait3A_89] : memref<40x125xi32, #tpu.memory_space<vmem>> -> memref<1x125xi32, #tpu.memory_space<vmem>>
        %dma_wait3A_91 = tpu.memref_squeeze %dma_wait3A_90 : memref<1x125xi32, #tpu.memory_space<vmem>> -> memref<125xi32, #tpu.memory_space<vmem>>
        %dma_wait3A_92 = arith.constant 0 : i32
        %dma_wait3A_93 = arith.constant 0 : i32
        %dma_wait3A_94 = tpu.memref_slice %arg11[%dma_wait3A_92, %dma_wait3A_93] : memref<10000x128xf32, #tpu.memory_space<vmem_shared>> -> memref<10000x128xf32, #tpu.memory_space<vmem_shared>>
        tpu.wait_indirect_dma semaphore(%run_scoped3A : memref<!tpu.dma_semaphore, #tpu.memory_space<semaphore_mem>>) src(%arg9 : memref<125x128xf32, #tpu.memory_space<vmem>>) dst(%dma_wait3A_94 : memref<10000x128xf32, #tpu.memory_space<vmem_shared>>)
        tpu.yield
      }) : () -> ()
      %lt3A_68 = arith.constant 19 : i32
      %lt3A_69 = arith.cmpi slt, %scan3A_52, %lt3A_68 : i32
      %convert_element_type3A_70 = arith.extui %lt3A_69 : i1 to i32
      %cond3A_71 = arith.constant 0 : i32
      %cond3A_72 = arith.cmpi ne, %convert_element_type3A_70, %cond3A_71 : i32
      scf.if %cond3A_72 {
        %add3A_83 = arith.constant 2 : i32
        %add3A_84 = arith.addi %mul3A_54, %add3A_83 : i32
        %dma_start3A_85 = arith.constant 0 : i32
        %dma_start3A_86 = tpu.memref_slice %arg7[%add3A_84, %dma_start3A_85] : memref<40x125xi32, #tpu.memory_space<vmem>> -> memref<1x125xi32, #tpu.memory_space<vmem>>
        %dma_start3A_87 = tpu.memref_squeeze %dma_start3A_86 : memref<1x125xi32, #tpu.memory_space<vmem>> -> memref<125xi32, #tpu.memory_space<vmem>>
        %dma_start3A_88 = arith.constant 0 : i32
        %dma_start3A_89 = arith.constant 0 : i32
        %dma_start3A_90 = tpu.memref_slice %arg4[%dma_start3A_88, %dma_start3A_89] : memref<10000x128xf32, #tpu.memory_space<hbm>> -> memref<10000x128xf32, #tpu.memory_space<hbm>>
        tpu.enqueue_indirect_dma source(%dma_start3A_90 : memref<10000x128xf32, #tpu.memory_space<hbm>>) target(%arg9 : memref<125x128xf32, #tpu.memory_space<vmem>>) offsets(%dma_start3A_87 : memref<125xi32, #tpu.memory_space<vmem>>) semaphore(%arg12 : memref<!tpu.dma_semaphore, #tpu.memory_space<semaphore_mem>>)
      } else {
      }
      %add3A_73 = arith.constant 1 : i32
      %add3A_74 = arith.addi %mul3A_54, %add3A_73 : i32
      %dma_wait3A_75 = arith.constant 0 : i32
      %dma_wait3A_76 = tpu.memref_slice %arg7[%add3A_74, %dma_wait3A_75] : memref<40x125xi32, #tpu.memory_space<vmem>> -> memref<1x125xi32, #tpu.memory_space<vmem>>
      %dma_wait3A_77 = tpu.memref_squeeze %dma_wait3A_76 : memref<1x125xi32, #tpu.memory_space<vmem>> -> memref<125xi32, #tpu.memory_space<vmem>>
      %dma_wait3A_78 = arith.constant 0 : i32
      %dma_wait3A_79 = arith.constant 0 : i32
      %dma_wait3A_80 = tpu.memref_slice %arg4[%dma_wait3A_78, %dma_wait3A_79] : memref<10000x128xf32, #tpu.memory_space<hbm>> -> memref<10000x128xf32, #tpu.memory_space<hbm>>
      tpu.wait_indirect_dma semaphore(%arg13 : memref<!tpu.dma_semaphore, #tpu.memory_space<semaphore_mem>>) src(%dma_wait3A_80 : memref<10000x128xf32, #tpu.memory_space<hbm>>) dst(%arg10 : memref<125x128xf32, #tpu.memory_space<vmem>>)
      %add3A_81 = arith.constant 1 : i32
      %add3A_82 = arith.addi %mul3A_54, %add3A_81 : i32
      "tpu.region"() ({
        %run_scoped3A = tpu.sem_alloc : memref<!tpu.dma_semaphore, #tpu.memory_space<semaphore_mem>>
        %dma_start3A_83 = arith.constant 0 : i32
        %dma_start3A_84 = tpu.memref_slice %arg8[%add3A_82, %dma_start3A_83] : memref<40x125xi32, #tpu.memory_space<vmem>> -> memref<1x125xi32, #tpu.memory_space<vmem>>
        %dma_start3A_85 = tpu.memref_squeeze %dma_start3A_84 : memref<1x125xi32, #tpu.memory_space<vmem>> -> memref<125xi32, #tpu.memory_space<vmem>>
        %dma_start3A_86 = arith.constant 0 : i32
        %dma_start3A_87 = arith.constant 0 : i32
        %dma_start3A_88 = tpu.memref_slice %arg11[%dma_start3A_86, %dma_start3A_87] : memref<10000x128xf32, #tpu.memory_space<vmem_shared>> -> memref<10000x128xf32, #tpu.memory_space<vmem_shared>>
        tpu.enqueue_indirect_dma source(%arg10 : memref<125x128xf32, #tpu.memory_space<vmem>>) target(%dma_start3A_88 : memref<10000x128xf32, #tpu.memory_space<vmem_shared>>) offsets(%dma_start3A_85 : memref<125xi32, #tpu.memory_space<vmem>>) semaphore(%run_scoped3A : memref<!tpu.dma_semaphore, #tpu.memory_space<semaphore_mem>>) {add = true}
        %dma_wait3A_89 = arith.constant 0 : i32
        %dma_wait3A_90 = tpu.memref_slice %arg8[%add3A_82, %dma_wait3A_89] : memref<40x125xi32, #tpu.memory_space<vmem>> -> memref<1x125xi32, #tpu.memory_space<vmem>>
        %dma_wait3A_91 = tpu.memref_squeeze %dma_wait3A_90 : memref<1x125xi32, #tpu.memory_space<vmem>> -> memref<125xi32, #tpu.memory_space<vmem>>
        %dma_wait3A_92 = arith.constant 0 : i32
        %dma_wait3A_93 = arith.constant 0 : i32
        %dma_wait3A_94 = tpu.memref_slice %arg11[%dma_wait3A_92, %dma_wait3A_93] : memref<10000x128xf32, #tpu.memory_space<vmem_shared>> -> memref<10000x128xf32, #tpu.memory_space<vmem_shared>>
        tpu.wait_indirect_dma semaphore(%run_scoped3A : memref<!tpu.dma_semaphore, #tpu.memory_space<semaphore_mem>>) src(%arg10 : memref<125x128xf32, #tpu.memory_space<vmem>>) dst(%dma_wait3A_94 : memref<10000x128xf32, #tpu.memory_space<vmem_shared>>)
        tpu.yield
      }) : () -> ()
    }
    %scan3A_40 = arith.constant 20 : i32
    %barrier3A_41 = arith.constant 0 : index
    tpu.barrier barrier_id(%barrier3A_41)
    %lt3A_42 = arith.constant 15 : i32
    %lt3A_43 = arith.cmpi slt, %arg1, %lt3A_42 : i32
    %convert_element_type3A_44 = arith.extui %lt3A_43 : i1 to i32
    %cond3A_45 = arith.constant 0 : i32
    %cond3A_46 = arith.cmpi ne, %convert_element_type3A_44, %cond3A_45 : i32
    scf.if %cond3A_46 {
      %mul3A_52 = arith.constant 632 : i32
      %mul3A_53 = arith.muli %arg1, %mul3A_52 : i32
      %multiple_of3A = tpu.assume_multiple %mul3A_53, 8 : i32
      %mul3A_54 = arith.constant 10000 : i32
      %mul3A_55 = arith.muli %arg0, %mul3A_54 : i32
      %mul3A_56 = arith.constant 632 : i32
      %mul3A_57 = arith.muli %arg1, %mul3A_56 : i32
      %add3A_58 = arith.addi %mul3A_55, %mul3A_57 : i32
      %multiple_of3A_59 = tpu.assume_multiple %add3A_58, 8 : i32
      "tpu.region"() ({
        %run_scoped3A = tpu.sem_alloc : memref<!tpu.dma_semaphore, #tpu.memory_space<semaphore_mem>>
        %dma_start3A_60 = arith.constant 0 : i32
        %dma_start3A_61 = tpu.memref_slice %arg6[%multiple_of3A_59, %dma_start3A_60] : memref<20000x128xf32, #tpu.memory_space<hbm>> -> memref<632x128xf32, #tpu.memory_space<hbm>>
        %dma_start3A_62 = arith.constant 0 : i32
        %dma_start3A_63 = tpu.memref_slice %arg11[%multiple_of3A, %dma_start3A_62] : memref<10000x128xf32, #tpu.memory_space<vmem_shared>> -> memref<632x128xf32, #tpu.memory_space<vmem_shared>>
        tpu.enqueue_dma source(%dma_start3A_63 : memref<632x128xf32, #tpu.memory_space<vmem_shared>>) target(%dma_start3A_61 : memref<632x128xf32, #tpu.memory_space<hbm>>) target_semaphore(%run_scoped3A : memref<!tpu.dma_semaphore, #tpu.memory_space<semaphore_mem>>)
        %dma_wait3A = arith.constant 0 : i32
        %dma_wait3A_64 = tpu.memref_slice %arg6[%multiple_of3A_59, %dma_wait3A] : memref<20000x128xf32, #tpu.memory_space<hbm>> -> memref<632x128xf32, #tpu.memory_space<hbm>>
        %dma_wait3A_65 = arith.constant 0 : i32
        %dma_wait3A_66 = tpu.memref_slice %arg11[%multiple_of3A, %dma_wait3A_65] : memref<10000x128xf32, #tpu.memory_space<vmem_shared>> -> memref<632x128xf32, #tpu.memory_space<vmem_shared>>
        tpu.wait_dma2 semaphore(%run_scoped3A : memref<!tpu.dma_semaphore, #tpu.memory_space<semaphore_mem>>) src(%dma_wait3A_66 : memref<632x128xf32, #tpu.memory_space<vmem_shared>>) dst(%dma_wait3A_64 : memref<632x128xf32, #tpu.memory_space<hbm>>)
        tpu.yield
      }) : () -> ()
    } else {
    }
    %eq3A_47 = arith.constant 15 : i32
    %eq3A_48 = arith.cmpi eq, %arg1, %eq3A_47 : i32
    %convert_element_type3A_49 = arith.extui %eq3A_48 : i1 to i32
    %cond3A_50 = arith.constant 0 : i32
    %cond3A_51 = arith.cmpi ne, %convert_element_type3A_49, %cond3A_50 : i32
    scf.if %cond3A_51 {
      %mul3A_52 = arith.constant 10000 : i32
      %mul3A_53 = arith.muli %arg0, %mul3A_52 : i32
      %add3A_54 = arith.constant 9480 : i32
      %add3A_55 = arith.addi %mul3A_53, %add3A_54 : i32
      %multiple_of3A = tpu.assume_multiple %add3A_55, 8 : i32
      "tpu.region"() ({
        %run_scoped3A = tpu.sem_alloc : memref<!tpu.dma_semaphore, #tpu.memory_space<semaphore_mem>>
        %dma_start3A_56 = arith.constant 0 : i32
        %dma_start3A_57 = tpu.memref_slice %arg6[%multiple_of3A, %dma_start3A_56] : memref<20000x128xf32, #tpu.memory_space<hbm>> -> memref<520x128xf32, #tpu.memory_space<hbm>>
        %dma_start3A_58 = arith.constant 9480 : i32
        %dma_start3A_59 = arith.constant 0 : i32
        %dma_start3A_60 = tpu.memref_slice %arg11[%dma_start3A_58, %dma_start3A_59] : memref<10000x128xf32, #tpu.memory_space<vmem_shared>> -> memref<520x128xf32, #tpu.memory_space<vmem_shared>>
        tpu.enqueue_dma source(%dma_start3A_60 : memref<520x128xf32, #tpu.memory_space<vmem_shared>>) target(%dma_start3A_57 : memref<520x128xf32, #tpu.memory_space<hbm>>) target_semaphore(%run_scoped3A : memref<!tpu.dma_semaphore, #tpu.memory_space<semaphore_mem>>)
        %dma_wait3A = arith.constant 0 : i32
        %dma_wait3A_61 = tpu.memref_slice %arg6[%multiple_of3A, %dma_wait3A] : memref<20000x128xf32, #tpu.memory_space<hbm>> -> memref<520x128xf32, #tpu.memory_space<hbm>>
        %dma_wait3A_62 = arith.constant 9480 : i32
        %dma_wait3A_63 = arith.constant 0 : i32
        %dma_wait3A_64 = tpu.memref_slice %arg11[%dma_wait3A_62, %dma_wait3A_63] : memref<10000x128xf32, #tpu.memory_space<vmem_shared>> -> memref<520x128xf32, #tpu.memory_space<vmem_shared>>
        tpu.wait_dma2 semaphore(%run_scoped3A : memref<!tpu.dma_semaphore, #tpu.memory_space<semaphore_mem>>) src(%dma_wait3A_64 : memref<520x128xf32, #tpu.memory_space<vmem_shared>>) dst(%dma_wait3A_61 : memref<520x128xf32, #tpu.memory_space<hbm>>)
        tpu.yield
      }) : () -> ()
    } else {
    }
    return
  }
}

#map = affine_map<(d0, d1) -> (0, 0, 0)>
#map1 = affine_map<(d0, d1) -> (0, 0)>
module attributes {stable_mosaic.version = 14 : i64} {
  func.func @_spmm(%arg0: i32, %arg1: i32, %arg2: memref<32x80x125xi32, #tpu.memory_space<hbm>>, %arg3: memref<32x80x125xi32, #tpu.memory_space<hbm>>, %arg4: memref<10000x128xf32, #tpu.memory_space<hbm>>, %arg5: memref<632x128xf32, #tpu.memory_space<hbm>>, %arg6: memref<20000x128xf32, #tpu.memory_space<hbm>>, %arg7: memref<40x125xi32, #tpu.memory_space<vmem>>, %arg8: memref<40x125xi32, #tpu.memory_space<vmem>>, %arg9: memref<125x128xf32, #tpu.memory_space<vmem>>, %arg10: memref<125x128xf32, #tpu.memory_space<vmem>>, %arg11: memref<10000x128xf32, #tpu.memory_space<vmem_shared>>, %arg12: memref<!tpu.dma_semaphore, #tpu.memory_space<semaphore_mem>>, %arg13: memref<!tpu.dma_semaphore, #tpu.memory_space<semaphore_mem>>, %arg14: memref<!tpu.dma_semaphore, #tpu.memory_space<semaphore_mem>>) attributes {dimension_semantics = [#tpu.dimension_semantics<core_parallel>, #tpu.dimension_semantics<subcore_parallel>], iteration_bounds = array<i64: 2, 16>, scalar_prefetch = 0 : i64, scratch_operands = 8 : i64, tpu.core_type = #tpu.core_type<sc_vector_subcore>, window_params = [{transform_indices = #map}, {transform_indices = #map}, {transform_indices = #map1}, {transform_indices = #map1}, {transform_indices = #map1}]} {
    %mul3A = arith.constant 16 : i32
    %mul3A_0 = arith.muli %arg0, %mul3A : i32
    %add3A = arith.addi %mul3A_0, %arg1 : i32
    %lt3A = arith.constant 15 : i32
    %lt3A_1 = arith.cmpi slt, %arg1, %lt3A : i32
    %convert_element_type3A = arith.extui %lt3A_1 : i1 to i32
    %cond3A = arith.constant 0 : i32
    %cond3A_2 = arith.cmpi ne, %convert_element_type3A, %cond3A : i32
    scf.if %cond3A_2 {
      %mul3A_52 = arith.constant 632 : i32
      %mul3A_53 = arith.muli %arg1, %mul3A_52 : i32
      %multiple_of3A = tpu.assume_multiple %mul3A_53, 8 : i32
      %dma_start3A_54 = arith.constant 0 : i32
      %dma_start3A_55 = tpu.memref_slice %arg11[%multiple_of3A, %dma_start3A_54] : memref<10000x128xf32, #tpu.memory_space<vmem_shared>> -> memref<632x128xf32, #tpu.memory_space<vmem_shared>>
      tpu.enqueue_dma source(%arg5 : memref<632x128xf32, #tpu.memory_space<hbm>>) target(%dma_start3A_55 : memref<632x128xf32, #tpu.memory_space<vmem_shared>>) target_semaphore(%arg14 : memref<!tpu.dma_semaphore, #tpu.memory_space<semaphore_mem>>)
    } else {
    }
    %eq3A = arith.constant 15 : i32
    %eq3A_3 = arith.cmpi eq, %arg1, %eq3A : i32
    %convert_element_type3A_4 = arith.extui %eq3A_3 : i1 to i32
    %cond3A_5 = arith.constant 0 : i32
    %cond3A_6 = arith.cmpi ne, %convert_element_type3A_4, %cond3A_5 : i32
    scf.if %cond3A_6 {
      %dma_start3A_52 = arith.constant 9480 : i32
      %dma_start3A_53 = arith.constant 0 : i32
      %dma_start3A_54 = tpu.memref_slice %arg11[%dma_start3A_52, %dma_start3A_53] : memref<10000x128xf32, #tpu.memory_space<vmem_shared>> -> memref<520x128xf32, #tpu.memory_space<vmem_shared>>
      %dma_start3A_55 = arith.constant 0 : i32
      %dma_start3A_56 = arith.constant 0 : i32
      %dma_start3A_57 = tpu.memref_slice %arg5[%dma_start3A_55, %dma_start3A_56] : memref<632x128xf32, #tpu.memory_space<hbm>> -> memref<520x128xf32, #tpu.memory_space<hbm>>
      tpu.enqueue_dma source(%dma_start3A_57 : memref<520x128xf32, #tpu.memory_space<hbm>>) target(%dma_start3A_54 : memref<520x128xf32, #tpu.memory_space<vmem_shared>>) target_semaphore(%arg14 : memref<!tpu.dma_semaphore, #tpu.memory_space<semaphore_mem>>)
    } else {
    }
    %lt3A_7 = arith.constant 15 : i32
    %lt3A_8 = arith.cmpi slt, %arg1, %lt3A_7 : i32
    %convert_element_type3A_9 = arith.extui %lt3A_8 : i1 to i32
    %cond3A_10 = arith.constant 0 : i32
    %cond3A_11 = arith.cmpi ne, %convert_element_type3A_9, %cond3A_10 : i32
    scf.if %cond3A_11 {
      %mul3A_52 = arith.constant 632 : i32
      %mul3A_53 = arith.muli %arg1, %mul3A_52 : i32
      %multiple_of3A = tpu.assume_multiple %mul3A_53, 8 : i32
      %dma_wait3A = arith.constant 0 : i32
      %dma_wait3A_54 = tpu.memref_slice %arg11[%multiple_of3A, %dma_wait3A] : memref<10000x128xf32, #tpu.memory_space<vmem_shared>> -> memref<632x128xf32, #tpu.memory_space<vmem_shared>>
      tpu.wait_dma2 semaphore(%arg14 : memref<!tpu.dma_semaphore, #tpu.memory_space<semaphore_mem>>) src(%arg5 : memref<632x128xf32, #tpu.memory_space<hbm>>) dst(%dma_wait3A_54 : memref<632x128xf32, #tpu.memory_space<vmem_shared>>)
    } else {
    }
    %eq3A_12 = arith.constant 15 : i32
    %eq3A_13 = arith.cmpi eq, %arg1, %eq3A_12 : i32
    %convert_element_type3A_14 = arith.extui %eq3A_13 : i1 to i32
    %cond3A_15 = arith.constant 0 : i32
    %cond3A_16 = arith.cmpi ne, %convert_element_type3A_14, %cond3A_15 : i32
    scf.if %cond3A_16 {
      %dma_wait3A = arith.constant 9480 : i32
      %dma_wait3A_52 = arith.constant 0 : i32
      %dma_wait3A_53 = tpu.memref_slice %arg11[%dma_wait3A, %dma_wait3A_52] : memref<10000x128xf32, #tpu.memory_space<vmem_shared>> -> memref<520x128xf32, #tpu.memory_space<vmem_shared>>
      %dma_wait3A_54 = arith.constant 0 : i32
      %dma_wait3A_55 = arith.constant 0 : i32
      %dma_wait3A_56 = tpu.memref_slice %arg5[%dma_wait3A_54, %dma_wait3A_55] : memref<632x128xf32, #tpu.memory_space<hbm>> -> memref<520x128xf32, #tpu.memory_space<hbm>>
      tpu.wait_dma2 semaphore(%arg14 : memref<!tpu.dma_semaphore, #tpu.memory_space<semaphore_mem>>) src(%dma_wait3A_56 : memref<520x128xf32, #tpu.memory_space<hbm>>) dst(%dma_wait3A_53 : memref<520x128xf32, #tpu.memory_space<vmem_shared>>)
    } else {
    }
    %barrier3A = arith.constant 0 : index
    tpu.barrier barrier_id(%barrier3A)
    "tpu.region"() ({
      %run_scoped3A = tpu.sem_alloc : memref<!tpu.dma_semaphore, #tpu.memory_space<semaphore_mem>>
      %dma_start3A_52 = arith.constant 0 : i32
      %dma_start3A_53 = arith.constant 0 : i32
      %dma_start3A_54 = tpu.memref_slice %arg2[%add3A, %dma_start3A_52, %dma_start3A_53] : memref<32x80x125xi32, #tpu.memory_space<hbm>> -> memref<1x40x125xi32, #tpu.memory_space<hbm>>
      %dma_start3A_55 = tpu.memref_squeeze %dma_start3A_54 : memref<1x40x125xi32, #tpu.memory_space<hbm>> -> memref<40x125xi32, #tpu.memory_space<hbm>>
      %dma_start3A_56 = arith.constant 0 : i32
      %dma_start3A_57 = arith.constant 0 : i32
      %dma_start3A_58 = tpu.memref_slice %arg2[%add3A, %dma_start3A_56, %dma_start3A_57] : memref<32x80x125xi32, #tpu.memory_space<hbm>> -> memref<1x40x125xi32, #tpu.memory_space<hbm>>
      %dma_start3A_59 = tpu.memref_squeeze %dma_start3A_58 : memref<1x40x125xi32, #tpu.memory_space<hbm>> -> memref<40x125xi32, #tpu.memory_space<hbm>>
      tpu.enqueue_dma source(%dma_start3A_59 : memref<40x125xi32, #tpu.memory_space<hbm>>) target(%arg7 : memref<40x125xi32, #tpu.memory_space<vmem>>) target_semaphore(%run_scoped3A : memref<!tpu.dma_semaphore, #tpu.memory_space<semaphore_mem>>)
      %dma_wait3A = arith.constant 0 : i32
      %dma_wait3A_60 = arith.constant 0 : i32
      %dma_wait3A_61 = tpu.memref_slice %arg2[%add3A, %dma_wait3A, %dma_wait3A_60] : memref<32x80x125xi32, #tpu.memory_space<hbm>> -> memref<1x40x125xi32, #tpu.memory_space<hbm>>
      %dma_wait3A_62 = tpu.memref_squeeze %dma_wait3A_61 : memref<1x40x125xi32, #tpu.memory_space<hbm>> -> memref<40x125xi32, #tpu.memory_space<hbm>>
      %dma_wait3A_63 = arith.constant 0 : i32
      %dma_wait3A_64 = arith.constant 0 : i32
      %dma_wait3A_65 = tpu.memref_slice %arg2[%add3A, %dma_wait3A_63, %dma_wait3A_64] : memref<32x80x125xi32, #tpu.memory_space<hbm>> -> memref<1x40x125xi32, #tpu.memory_space<hbm>>
      %dma_wait3A_66 = tpu.memref_squeeze %dma_wait3A_65 : memref<1x40x125xi32, #tpu.memory_space<hbm>> -> memref<40x125xi32, #tpu.memory_space<hbm>>
      tpu.wait_dma2 semaphore(%run_scoped3A : memref<!tpu.dma_semaphore, #tpu.memory_space<semaphore_mem>>) src(%dma_wait3A_66 : memref<40x125xi32, #tpu.memory_space<hbm>>) dst(%arg7 : memref<40x125xi32, #tpu.memory_space<vmem>>)
      tpu.yield
    }) : () -> ()
    "tpu.region"() ({
      %run_scoped3A = tpu.sem_alloc : memref<!tpu.dma_semaphore, #tpu.memory_space<semaphore_mem>>
      %dma_start3A_52 = arith.constant 0 : i32
      %dma_start3A_53 = arith.constant 0 : i32
      %dma_start3A_54 = tpu.memref_slice %arg3[%add3A, %dma_start3A_52, %dma_start3A_53] : memref<32x80x125xi32, #tpu.memory_space<hbm>> -> memref<1x40x125xi32, #tpu.memory_space<hbm>>
      %dma_start3A_55 = tpu.memref_squeeze %dma_start3A_54 : memref<1x40x125xi32, #tpu.memory_space<hbm>> -> memref<40x125xi32, #tpu.memory_space<hbm>>
      %dma_start3A_56 = arith.constant 0 : i32
      %dma_start3A_57 = arith.constant 0 : i32
      %dma_start3A_58 = tpu.memref_slice %arg3[%add3A, %dma_start3A_56, %dma_start3A_57] : memref<32x80x125xi32, #tpu.memory_space<hbm>> -> memref<1x40x125xi32, #tpu.memory_space<hbm>>
      %dma_start3A_59 = tpu.memref_squeeze %dma_start3A_58 : memref<1x40x125xi32, #tpu.memory_space<hbm>> -> memref<40x125xi32, #tpu.memory_space<hbm>>
      tpu.enqueue_dma source(%dma_start3A_59 : memref<40x125xi32, #tpu.memory_space<hbm>>) target(%arg8 : memref<40x125xi32, #tpu.memory_space<vmem>>) target_semaphore(%run_scoped3A : memref<!tpu.dma_semaphore, #tpu.memory_space<semaphore_mem>>)
      %dma_wait3A = arith.constant 0 : i32
      %dma_wait3A_60 = arith.constant 0 : i32
      %dma_wait3A_61 = tpu.memref_slice %arg3[%add3A, %dma_wait3A, %dma_wait3A_60] : memref<32x80x125xi32, #tpu.memory_space<hbm>> -> memref<1x40x125xi32, #tpu.memory_space<hbm>>
      %dma_wait3A_62 = tpu.memref_squeeze %dma_wait3A_61 : memref<1x40x125xi32, #tpu.memory_space<hbm>> -> memref<40x125xi32, #tpu.memory_space<hbm>>
      %dma_wait3A_63 = arith.constant 0 : i32
      %dma_wait3A_64 = arith.constant 0 : i32
      %dma_wait3A_65 = tpu.memref_slice %arg3[%add3A, %dma_wait3A_63, %dma_wait3A_64] : memref<32x80x125xi32, #tpu.memory_space<hbm>> -> memref<1x40x125xi32, #tpu.memory_space<hbm>>
      %dma_wait3A_66 = tpu.memref_squeeze %dma_wait3A_65 : memref<1x40x125xi32, #tpu.memory_space<hbm>> -> memref<40x125xi32, #tpu.memory_space<hbm>>
      tpu.wait_dma2 semaphore(%run_scoped3A : memref<!tpu.dma_semaphore, #tpu.memory_space<semaphore_mem>>) src(%dma_wait3A_66 : memref<40x125xi32, #tpu.memory_space<hbm>>) dst(%arg8 : memref<40x125xi32, #tpu.memory_space<vmem>>)
      tpu.yield
    }) : () -> ()
    %dma_start3A = arith.constant 0 : i32
    %dma_start3A_17 = arith.constant 0 : i32
    %dma_start3A_18 = tpu.memref_slice %arg7[%dma_start3A, %dma_start3A_17] : memref<40x125xi32, #tpu.memory_space<vmem>> -> memref<1x125xi32, #tpu.memory_space<vmem>>
    %dma_start3A_19 = tpu.memref_squeeze %dma_start3A_18 : memref<1x125xi32, #tpu.memory_space<vmem>> -> memref<125xi32, #tpu.memory_space<vmem>>
    %dma_start3A_20 = arith.constant 0 : i32
    %dma_start3A_21 = arith.constant 0 : i32
    %dma_start3A_22 = tpu.memref_slice %arg4[%dma_start3A_20, %dma_start3A_21] : memref<10000x128xf32, #tpu.memory_space<hbm>> -> memref<10000x128xf32, #tpu.memory_space<hbm>>
    tpu.enqueue_indirect_dma source(%dma_start3A_22 : memref<10000x128xf32, #tpu.memory_space<hbm>>) target(%arg9 : memref<125x128xf32, #tpu.memory_space<vmem>>) offsets(%dma_start3A_19 : memref<125xi32, #tpu.memory_space<vmem>>) semaphore(%arg12 : memref<!tpu.dma_semaphore, #tpu.memory_space<semaphore_mem>>)
    %scan3A = arith.constant 0 : i32
    %scan3A_23 = arith.constant 0 : i32
    %scan3A_24 = arith.constant 20 : i32
    %scan3A_25 = arith.addi %scan3A_23, %scan3A_24 : i32
    %scan3A_26 = arith.constant 1 : i32
    scf.for %scan3A_52 = %scan3A_23 to %scan3A_25 step %scan3A_26  : i32 {
      %mul3A_53 = arith.constant 2 : i32
      %mul3A_54 = arith.muli %mul3A_53, %scan3A_52 : i32
      %add3A_55 = arith.constant 1 : i32
      %add3A_56 = arith.addi %mul3A_54, %add3A_55 : i32
      %dma_start3A_57 = arith.constant 0 : i32
      %dma_start3A_58 = tpu.memref_slice %arg7[%add3A_56, %dma_start3A_57] : memref<40x125xi32, #tpu.memory_space<vmem>> -> memref<1x125xi32, #tpu.memory_space<vmem>>
      %dma_start3A_59 = tpu.memref_squeeze %dma_start3A_58 : memref<1x125xi32, #tpu.memory_space<vmem>> -> memref<125xi32, #tpu.memory_space<vmem>>
      %dma_start3A_60 = arith.constant 0 : i32
      %dma_start3A_61 = arith.constant 0 : i32
      %dma_start3A_62 = tpu.memref_slice %arg4[%dma_start3A_60, %dma_start3A_61] : memref<10000x128xf32, #tpu.memory_space<hbm>> -> memref<10000x128xf32, #tpu.memory_space<hbm>>
      tpu.enqueue_indirect_dma source(%dma_start3A_62 : memref<10000x128xf32, #tpu.memory_space<hbm>>) target(%arg10 : memref<125x128xf32, #tpu.memory_space<vmem>>) offsets(%dma_start3A_59 : memref<125xi32, #tpu.memory_space<vmem>>) semaphore(%arg13 : memref<!tpu.dma_semaphore, #tpu.memory_space<semaphore_mem>>)
      %dma_wait3A = arith.constant 0 : i32
      %dma_wait3A_63 = tpu.memref_slice %arg7[%mul3A_54, %dma_wait3A] : memref<40x125xi32, #tpu.memory_space<vmem>> -> memref<1x125xi32, #tpu.memory_space<vmem>>
      %dma_wait3A_64 = tpu.memref_squeeze %dma_wait3A_63 : memref<1x125xi32, #tpu.memory_space<vmem>> -> memref<125xi32, #tpu.memory_space<vmem>>
      %dma_wait3A_65 = arith.constant 0 : i32
      %dma_wait3A_66 = arith.constant 0 : i32
      %dma_wait3A_67 = tpu.memref_slice %arg4[%dma_wait3A_65, %dma_wait3A_66] : memref<10000x128xf32, #tpu.memory_space<hbm>> -> memref<10000x128xf32, #tpu.memory_space<hbm>>
      tpu.wait_indirect_dma semaphore(%arg12 : memref<!tpu.dma_semaphore, #tpu.memory_space<semaphore_mem>>) src(%dma_wait3A_67 : memref<10000x128xf32, #tpu.memory_space<hbm>>) dst(%arg9 : memref<125x128xf32, #tpu.memory_space<vmem>>)
      "tpu.region"() ({
        %run_scoped3A = tpu.sem_alloc : memref<!tpu.dma_semaphore, #tpu.memory_space<semaphore_mem>>
        %dma_start3A_83 = arith.constant 0 : i32
        %dma_start3A_84 = tpu.memref_slice %arg8[%mul3A_54, %dma_start3A_83] : memref<40x125xi32, #tpu.memory_space<vmem>> -> memref<1x125xi32, #tpu.memory_space<vmem>>
        %dma_start3A_85 = tpu.memref_squeeze %dma_start3A_84 : memref<1x125xi32, #tpu.memory_space<vmem>> -> memref<125xi32, #tpu.memory_space<vmem>>
        %dma_start3A_86 = arith.constant 0 : i32
        %dma_start3A_87 = arith.constant 0 : i32
        %dma_start3A_88 = tpu.memref_slice %arg11[%dma_start3A_86, %dma_start3A_87] : memref<10000x128xf32, #tpu.memory_space<vmem_shared>> -> memref<10000x128xf32, #tpu.memory_space<vmem_shared>>
        tpu.enqueue_indirect_dma source(%arg9 : memref<125x128xf32, #tpu.memory_space<vmem>>) target(%dma_start3A_88 : memref<10000x128xf32, #tpu.memory_space<vmem_shared>>) offsets(%dma_start3A_85 : memref<125xi32, #tpu.memory_space<vmem>>) semaphore(%run_scoped3A : memref<!tpu.dma_semaphore, #tpu.memory_space<semaphore_mem>>) {add = true}
        %dma_wait3A_89 = arith.constant 0 : i32
        %dma_wait3A_90 = tpu.memref_slice %arg8[%mul3A_54, %dma_wait3A_89] : memref<40x125xi32, #tpu.memory_space<vmem>> -> memref<1x125xi32, #tpu.memory_space<vmem>>
        %dma_wait3A_91 = tpu.memref_squeeze %dma_wait3A_90 : memref<1x125xi32, #tpu.memory_space<vmem>> -> memref<125xi32, #tpu.memory_space<vmem>>
        %dma_wait3A_92 = arith.constant 0 : i32
        %dma_wait3A_93 = arith.constant 0 : i32
        %dma_wait3A_94 = tpu.memref_slice %arg11[%dma_wait3A_92, %dma_wait3A_93] : memref<10000x128xf32, #tpu.memory_space<vmem_shared>> -> memref<10000x128xf32, #tpu.memory_space<vmem_shared>>
        tpu.wait_indirect_dma semaphore(%run_scoped3A : memref<!tpu.dma_semaphore, #tpu.memory_space<semaphore_mem>>) src(%arg9 : memref<125x128xf32, #tpu.memory_space<vmem>>) dst(%dma_wait3A_94 : memref<10000x128xf32, #tpu.memory_space<vmem_shared>>)
        tpu.yield
      }) : () -> ()
      %lt3A_68 = arith.constant 19 : i32
      %lt3A_69 = arith.cmpi slt, %scan3A_52, %lt3A_68 : i32
      %convert_element_type3A_70 = arith.extui %lt3A_69 : i1 to i32
      %cond3A_71 = arith.constant 0 : i32
      %cond3A_72 = arith.cmpi ne, %convert_element_type3A_70, %cond3A_71 : i32
      scf.if %cond3A_72 {
        %add3A_83 = arith.constant 2 : i32
        %add3A_84 = arith.addi %mul3A_54, %add3A_83 : i32
        %dma_start3A_85 = arith.constant 0 : i32
        %dma_start3A_86 = tpu.memref_slice %arg7[%add3A_84, %dma_start3A_85] : memref<40x125xi32, #tpu.memory_space<vmem>> -> memref<1x125xi32, #tpu.memory_space<vmem>>
        %dma_start3A_87 = tpu.memref_squeeze %dma_start3A_86 : memref<1x125xi32, #tpu.memory_space<vmem>> -> memref<125xi32, #tpu.memory_space<vmem>>
        %dma_start3A_88 = arith.constant 0 : i32
        %dma_start3A_89 = arith.constant 0 : i32
        %dma_start3A_90 = tpu.memref_slice %arg4[%dma_start3A_88, %dma_start3A_89] : memref<10000x128xf32, #tpu.memory_space<hbm>> -> memref<10000x128xf32, #tpu.memory_space<hbm>>
        tpu.enqueue_indirect_dma source(%dma_start3A_90 : memref<10000x128xf32, #tpu.memory_space<hbm>>) target(%arg9 : memref<125x128xf32, #tpu.memory_space<vmem>>) offsets(%dma_start3A_87 : memref<125xi32, #tpu.memory_space<vmem>>) semaphore(%arg12 : memref<!tpu.dma_semaphore, #tpu.memory_space<semaphore_mem>>)
      } else {
      }
      %add3A_73 = arith.constant 1 : i32
      %add3A_74 = arith.addi %mul3A_54, %add3A_73 : i32
      %dma_wait3A_75 = arith.constant 0 : i32
      %dma_wait3A_76 = tpu.memref_slice %arg7[%add3A_74, %dma_wait3A_75] : memref<40x125xi32, #tpu.memory_space<vmem>> -> memref<1x125xi32, #tpu.memory_space<vmem>>
      %dma_wait3A_77 = tpu.memref_squeeze %dma_wait3A_76 : memref<1x125xi32, #tpu.memory_space<vmem>> -> memref<125xi32, #tpu.memory_space<vmem>>
      %dma_wait3A_78 = arith.constant 0 : i32
      %dma_wait3A_79 = arith.constant 0 : i32
      %dma_wait3A_80 = tpu.memref_slice %arg4[%dma_wait3A_78, %dma_wait3A_79] : memref<10000x128xf32, #tpu.memory_space<hbm>> -> memref<10000x128xf32, #tpu.memory_space<hbm>>
      tpu.wait_indirect_dma semaphore(%arg13 : memref<!tpu.dma_semaphore, #tpu.memory_space<semaphore_mem>>) src(%dma_wait3A_80 : memref<10000x128xf32, #tpu.memory_space<hbm>>) dst(%arg10 : memref<125x128xf32, #tpu.memory_space<vmem>>)
      %add3A_81 = arith.constant 1 : i32
      %add3A_82 = arith.addi %mul3A_54, %add3A_81 : i32
      "tpu.region"() ({
        %run_scoped3A = tpu.sem_alloc : memref<!tpu.dma_semaphore, #tpu.memory_space<semaphore_mem>>
        %dma_start3A_83 = arith.constant 0 : i32
        %dma_start3A_84 = tpu.memref_slice %arg8[%add3A_82, %dma_start3A_83] : memref<40x125xi32, #tpu.memory_space<vmem>> -> memref<1x125xi32, #tpu.memory_space<vmem>>
        %dma_start3A_85 = tpu.memref_squeeze %dma_start3A_84 : memref<1x125xi32, #tpu.memory_space<vmem>> -> memref<125xi32, #tpu.memory_space<vmem>>
        %dma_start3A_86 = arith.constant 0 : i32
        %dma_start3A_87 = arith.constant 0 : i32
        %dma_start3A_88 = tpu.memref_slice %arg11[%dma_start3A_86, %dma_start3A_87] : memref<10000x128xf32, #tpu.memory_space<vmem_shared>> -> memref<10000x128xf32, #tpu.memory_space<vmem_shared>>
        tpu.enqueue_indirect_dma source(%arg10 : memref<125x128xf32, #tpu.memory_space<vmem>>) target(%dma_start3A_88 : memref<10000x128xf32, #tpu.memory_space<vmem_shared>>) offsets(%dma_start3A_85 : memref<125xi32, #tpu.memory_space<vmem>>) semaphore(%run_scoped3A : memref<!tpu.dma_semaphore, #tpu.memory_space<semaphore_mem>>) {add = true}
        %dma_wait3A_89 = arith.constant 0 : i32
        %dma_wait3A_90 = tpu.memref_slice %arg8[%add3A_82, %dma_wait3A_89] : memref<40x125xi32, #tpu.memory_space<vmem>> -> memref<1x125xi32, #tpu.memory_space<vmem>>
        %dma_wait3A_91 = tpu.memref_squeeze %dma_wait3A_90 : memref<1x125xi32, #tpu.memory_space<vmem>> -> memref<125xi32, #tpu.memory_space<vmem>>
        %dma_wait3A_92 = arith.constant 0 : i32
        %dma_wait3A_93 = arith.constant 0 : i32
        %dma_wait3A_94 = tpu.memref_slice %arg11[%dma_wait3A_92, %dma_wait3A_93] : memref<10000x128xf32, #tpu.memory_space<vmem_shared>> -> memref<10000x128xf32, #tpu.memory_space<vmem_shared>>
        tpu.wait_indirect_dma semaphore(%run_scoped3A : memref<!tpu.dma_semaphore, #tpu.memory_space<semaphore_mem>>) src(%arg10 : memref<125x128xf32, #tpu.memory_space<vmem>>) dst(%dma_wait3A_94 : memref<10000x128xf32, #tpu.memory_space<vmem_shared>>)
        tpu.yield
      }) : () -> ()
    }
    %scan3A_27 = arith.constant 20 : i32
    "tpu.region"() ({
      %run_scoped3A = tpu.sem_alloc : memref<!tpu.dma_semaphore, #tpu.memory_space<semaphore_mem>>
      %dma_start3A_52 = arith.constant 40 : i32
      %dma_start3A_53 = arith.constant 0 : i32
      %dma_start3A_54 = tpu.memref_slice %arg2[%add3A, %dma_start3A_52, %dma_start3A_53] : memref<32x80x125xi32, #tpu.memory_space<hbm>> -> memref<1x40x125xi32, #tpu.memory_space<hbm>>
      %dma_start3A_55 = tpu.memref_squeeze %dma_start3A_54 : memref<1x40x125xi32, #tpu.memory_space<hbm>> -> memref<40x125xi32, #tpu.memory_space<hbm>>
      %dma_start3A_56 = arith.constant 40 : i32
      %dma_start3A_57 = arith.constant 0 : i32
      %dma_start3A_58 = tpu.memref_slice %arg2[%add3A, %dma_start3A_56, %dma_start3A_57] : memref<32x80x125xi32, #tpu.memory_space<hbm>> -> memref<1x40x125xi32, #tpu.memory_space<hbm>>
      %dma_start3A_59 = tpu.memref_squeeze %dma_start3A_58 : memref<1x40x125xi32, #tpu.memory_space<hbm>> -> memref<40x125xi32, #tpu.memory_space<hbm>>
      tpu.enqueue_dma source(%dma_start3A_59 : memref<40x125xi32, #tpu.memory_space<hbm>>) target(%arg7 : memref<40x125xi32, #tpu.memory_space<vmem>>) target_semaphore(%run_scoped3A : memref<!tpu.dma_semaphore, #tpu.memory_space<semaphore_mem>>)
      %dma_wait3A = arith.constant 40 : i32
      %dma_wait3A_60 = arith.constant 0 : i32
      %dma_wait3A_61 = tpu.memref_slice %arg2[%add3A, %dma_wait3A, %dma_wait3A_60] : memref<32x80x125xi32, #tpu.memory_space<hbm>> -> memref<1x40x125xi32, #tpu.memory_space<hbm>>
      %dma_wait3A_62 = tpu.memref_squeeze %dma_wait3A_61 : memref<1x40x125xi32, #tpu.memory_space<hbm>> -> memref<40x125xi32, #tpu.memory_space<hbm>>
      %dma_wait3A_63 = arith.constant 40 : i32
      %dma_wait3A_64 = arith.constant 0 : i32
      %dma_wait3A_65 = tpu.memref_slice %arg2[%add3A, %dma_wait3A_63, %dma_wait3A_64] : memref<32x80x125xi32, #tpu.memory_space<hbm>> -> memref<1x40x125xi32, #tpu.memory_space<hbm>>
      %dma_wait3A_66 = tpu.memref_squeeze %dma_wait3A_65 : memref<1x40x125xi32, #tpu.memory_space<hbm>> -> memref<40x125xi32, #tpu.memory_space<hbm>>
      tpu.wait_dma2 semaphore(%run_scoped3A : memref<!tpu.dma_semaphore, #tpu.memory_space<semaphore_mem>>) src(%dma_wait3A_66 : memref<40x125xi32, #tpu.memory_space<hbm>>) dst(%arg7 : memref<40x125xi32, #tpu.memory_space<vmem>>)
      tpu.yield
    }) : () -> ()
    "tpu.region"() ({
      %run_scoped3A = tpu.sem_alloc : memref<!tpu.dma_semaphore, #tpu.memory_space<semaphore_mem>>
      %dma_start3A_52 = arith.constant 40 : i32
      %dma_start3A_53 = arith.constant 0 : i32
      %dma_start3A_54 = tpu.memref_slice %arg3[%add3A, %dma_start3A_52, %dma_start3A_53] : memref<32x80x125xi32, #tpu.memory_space<hbm>> -> memref<1x40x125xi32, #tpu.memory_space<hbm>>
      %dma_start3A_55 = tpu.memref_squeeze %dma_start3A_54 : memref<1x40x125xi32, #tpu.memory_space<hbm>> -> memref<40x125xi32, #tpu.memory_space<hbm>>
      %dma_start3A_56 = arith.constant 40 : i32
      %dma_start3A_57 = arith.constant 0 : i32
      %dma_start3A_58 = tpu.memref_slice %arg3[%add3A, %dma_start3A_56, %dma_start3A_57] : memref<32x80x125xi32, #tpu.memory_space<hbm>> -> memref<1x40x125xi32, #tpu.memory_space<hbm>>
      %dma_start3A_59 = tpu.memref_squeeze %dma_start3A_58 : memref<1x40x125xi32, #tpu.memory_space<hbm>> -> memref<40x125xi32, #tpu.memory_space<hbm>>
      tpu.enqueue_dma source(%dma_start3A_59 : memref<40x125xi32, #tpu.memory_space<hbm>>) target(%arg8 : memref<40x125xi32, #tpu.memory_space<vmem>>) target_semaphore(%run_scoped3A : memref<!tpu.dma_semaphore, #tpu.memory_space<semaphore_mem>>)
      %dma_wait3A = arith.constant 40 : i32
      %dma_wait3A_60 = arith.constant 0 : i32
      %dma_wait3A_61 = tpu.memref_slice %arg3[%add3A, %dma_wait3A, %dma_wait3A_60] : memref<32x80x125xi32, #tpu.memory_space<hbm>> -> memref<1x40x125xi32, #tpu.memory_space<hbm>>
      %dma_wait3A_62 = tpu.memref_squeeze %dma_wait3A_61 : memref<1x40x125xi32, #tpu.memory_space<hbm>> -> memref<40x125xi32, #tpu.memory_space<hbm>>
      %dma_wait3A_63 = arith.constant 40 : i32
      %dma_wait3A_64 = arith.constant 0 : i32
      %dma_wait3A_65 = tpu.memref_slice %arg3[%add3A, %dma_wait3A_63, %dma_wait3A_64] : memref<32x80x125xi32, #tpu.memory_space<hbm>> -> memref<1x40x125xi32, #tpu.memory_space<hbm>>
      %dma_wait3A_66 = tpu.memref_squeeze %dma_wait3A_65 : memref<1x40x125xi32, #tpu.memory_space<hbm>> -> memref<40x125xi32, #tpu.memory_space<hbm>>
      tpu.wait_dma2 semaphore(%run_scoped3A : memref<!tpu.dma_semaphore, #tpu.memory_space<semaphore_mem>>) src(%dma_wait3A_66 : memref<40x125xi32, #tpu.memory_space<hbm>>) dst(%arg8 : memref<40x125xi32, #tpu.memory_space<vmem>>)
      tpu.yield
    }) : () -> ()
    %dma_start3A_28 = arith.constant 0 : i32
    %dma_start3A_29 = arith.constant 0 : i32
    %dma_start3A_30 = tpu.memref_slice %arg7[%dma_start3A_28, %dma_start3A_29] : memref<40x125xi32, #tpu.memory_space<vmem>> -> memref<1x125xi32, #tpu.memory_space<vmem>>
    %dma_start3A_31 = tpu.memref_squeeze %dma_start3A_30 : memref<1x125xi32, #tpu.memory_space<vmem>> -> memref<125xi32, #tpu.memory_space<vmem>>
    %dma_start3A_32 = arith.constant 0 : i32
    %dma_start3A_33 = arith.constant 0 : i32
    %dma_start3A_34 = tpu.memref_slice %arg4[%dma_start3A_32, %dma_start3A_33] : memref<10000x128xf32, #tpu.memory_space<hbm>> -> memref<10000x128xf32, #tpu.memory_space<hbm>>
    tpu.enqueue_indirect_dma source(%dma_start3A_34 : memref<10000x128xf32, #tpu.memory_space<hbm>>) target(%arg9 : memref<125x128xf32, #tpu.memory_space<vmem>>) offsets(%dma_start3A_31 : memref<125xi32, #tpu.memory_space<vmem>>) semaphore(%arg12 : memref<!tpu.dma_semaphore, #tpu.memory_space<semaphore_mem>>)
    %scan3A_35 = arith.constant 0 : i32
    %scan3A_36 = arith.constant 0 : i32
    %scan3A_37 = arith.constant 20 : i32
    %scan3A_38 = arith.addi %scan3A_36, %scan3A_37 : i32
    %scan3A_39 = arith.constant 1 : i32
    scf.for %scan3A_52 = %scan3A_36 to %scan3A_38 step %scan3A_39  : i32 {
      %mul3A_53 = arith.constant 2 : i32
      %mul3A_54 = arith.muli %mul3A_53, %scan3A_52 : i32
      %add3A_55 = arith.constant 1 : i32
      %add3A_56 = arith.addi %mul3A_54, %add3A_55 : i32
      %dma_start3A_57 = arith.constant 0 : i32
      %dma_start3A_58 = tpu.memref_slice %arg7[%add3A_56, %dma_start3A_57] : memref<40x125xi32, #tpu.memory_space<vmem>> -> memref<1x125xi32, #tpu.memory_space<vmem>>
      %dma_start3A_59 = tpu.memref_squeeze %dma_start3A_58 : memref<1x125xi32, #tpu.memory_space<vmem>> -> memref<125xi32, #tpu.memory_space<vmem>>
      %dma_start3A_60 = arith.constant 0 : i32
      %dma_start3A_61 = arith.constant 0 : i32
      %dma_start3A_62 = tpu.memref_slice %arg4[%dma_start3A_60, %dma_start3A_61] : memref<10000x128xf32, #tpu.memory_space<hbm>> -> memref<10000x128xf32, #tpu.memory_space<hbm>>
      tpu.enqueue_indirect_dma source(%dma_start3A_62 : memref<10000x128xf32, #tpu.memory_space<hbm>>) target(%arg10 : memref<125x128xf32, #tpu.memory_space<vmem>>) offsets(%dma_start3A_59 : memref<125xi32, #tpu.memory_space<vmem>>) semaphore(%arg13 : memref<!tpu.dma_semaphore, #tpu.memory_space<semaphore_mem>>)
      %dma_wait3A = arith.constant 0 : i32
      %dma_wait3A_63 = tpu.memref_slice %arg7[%mul3A_54, %dma_wait3A] : memref<40x125xi32, #tpu.memory_space<vmem>> -> memref<1x125xi32, #tpu.memory_space<vmem>>
      %dma_wait3A_64 = tpu.memref_squeeze %dma_wait3A_63 : memref<1x125xi32, #tpu.memory_space<vmem>> -> memref<125xi32, #tpu.memory_space<vmem>>
      %dma_wait3A_65 = arith.constant 0 : i32
      %dma_wait3A_66 = arith.constant 0 : i32
      %dma_wait3A_67 = tpu.memref_slice %arg4[%dma_wait3A_65, %dma_wait3A_66] : memref<10000x128xf32, #tpu.memory_space<hbm>> -> memref<10000x128xf32, #tpu.memory_space<hbm>>
      tpu.wait_indirect_dma semaphore(%arg12 : memref<!tpu.dma_semaphore, #tpu.memory_space<semaphore_mem>>) src(%dma_wait3A_67 : memref<10000x128xf32, #tpu.memory_space<hbm>>) dst(%arg9 : memref<125x128xf32, #tpu.memory_space<vmem>>)
      "tpu.region"() ({
        %run_scoped3A = tpu.sem_alloc : memref<!tpu.dma_semaphore, #tpu.memory_space<semaphore_mem>>
        %dma_start3A_83 = arith.constant 0 : i32
        %dma_start3A_84 = tpu.memref_slice %arg8[%mul3A_54, %dma_start3A_83] : memref<40x125xi32, #tpu.memory_space<vmem>> -> memref<1x125xi32, #tpu.memory_space<vmem>>
        %dma_start3A_85 = tpu.memref_squeeze %dma_start3A_84 : memref<1x125xi32, #tpu.memory_space<vmem>> -> memref<125xi32, #tpu.memory_space<vmem>>
        %dma_start3A_86 = arith.constant 0 : i32
        %dma_start3A_87 = arith.constant 0 : i32
        %dma_start3A_88 = tpu.memref_slice %arg11[%dma_start3A_86, %dma_start3A_87] : memref<10000x128xf32, #tpu.memory_space<vmem_shared>> -> memref<10000x128xf32, #tpu.memory_space<vmem_shared>>
        tpu.enqueue_indirect_dma source(%arg9 : memref<125x128xf32, #tpu.memory_space<vmem>>) target(%dma_start3A_88 : memref<10000x128xf32, #tpu.memory_space<vmem_shared>>) offsets(%dma_start3A_85 : memref<125xi32, #tpu.memory_space<vmem>>) semaphore(%run_scoped3A : memref<!tpu.dma_semaphore, #tpu.memory_space<semaphore_mem>>) {add = true}
        %dma_wait3A_89 = arith.constant 0 : i32
        %dma_wait3A_90 = tpu.memref_slice %arg8[%mul3A_54, %dma_wait3A_89] : memref<40x125xi32, #tpu.memory_space<vmem>> -> memref<1x125xi32, #tpu.memory_space<vmem>>
        %dma_wait3A_91 = tpu.memref_squeeze %dma_wait3A_90 : memref<1x125xi32, #tpu.memory_space<vmem>> -> memref<125xi32, #tpu.memory_space<vmem>>
        %dma_wait3A_92 = arith.constant 0 : i32
        %dma_wait3A_93 = arith.constant 0 : i32
        %dma_wait3A_94 = tpu.memref_slice %arg11[%dma_wait3A_92, %dma_wait3A_93] : memref<10000x128xf32, #tpu.memory_space<vmem_shared>> -> memref<10000x128xf32, #tpu.memory_space<vmem_shared>>
        tpu.wait_indirect_dma semaphore(%run_scoped3A : memref<!tpu.dma_semaphore, #tpu.memory_space<semaphore_mem>>) src(%arg9 : memref<125x128xf32, #tpu.memory_space<vmem>>) dst(%dma_wait3A_94 : memref<10000x128xf32, #tpu.memory_space<vmem_shared>>)
        tpu.yield
      }) : () -> ()
      %lt3A_68 = arith.constant 19 : i32
      %lt3A_69 = arith.cmpi slt, %scan3A_52, %lt3A_68 : i32
      %convert_element_type3A_70 = arith.extui %lt3A_69 : i1 to i32
      %cond3A_71 = arith.constant 0 : i32
      %cond3A_72 = arith.cmpi ne, %convert_element_type3A_70, %cond3A_71 : i32
      scf.if %cond3A_72 {
        %add3A_83 = arith.constant 2 : i32
        %add3A_84 = arith.addi %mul3A_54, %add3A_83 : i32
        %dma_start3A_85 = arith.constant 0 : i32
        %dma_start3A_86 = tpu.memref_slice %arg7[%add3A_84, %dma_start3A_85] : memref<40x125xi32, #tpu.memory_space<vmem>> -> memref<1x125xi32, #tpu.memory_space<vmem>>
        %dma_start3A_87 = tpu.memref_squeeze %dma_start3A_86 : memref<1x125xi32, #tpu.memory_space<vmem>> -> memref<125xi32, #tpu.memory_space<vmem>>
        %dma_start3A_88 = arith.constant 0 : i32
        %dma_start3A_89 = arith.constant 0 : i32
        %dma_start3A_90 = tpu.memref_slice %arg4[%dma_start3A_88, %dma_start3A_89] : memref<10000x128xf32, #tpu.memory_space<hbm>> -> memref<10000x128xf32, #tpu.memory_space<hbm>>
        tpu.enqueue_indirect_dma source(%dma_start3A_90 : memref<10000x128xf32, #tpu.memory_space<hbm>>) target(%arg9 : memref<125x128xf32, #tpu.memory_space<vmem>>) offsets(%dma_start3A_87 : memref<125xi32, #tpu.memory_space<vmem>>) semaphore(%arg12 : memref<!tpu.dma_semaphore, #tpu.memory_space<semaphore_mem>>)
      } else {
      }
      %add3A_73 = arith.constant 1 : i32
      %add3A_74 = arith.addi %mul3A_54, %add3A_73 : i32
      %dma_wait3A_75 = arith.constant 0 : i32
      %dma_wait3A_76 = tpu.memref_slice %arg7[%add3A_74, %dma_wait3A_75] : memref<40x125xi32, #tpu.memory_space<vmem>> -> memref<1x125xi32, #tpu.memory_space<vmem>>
      %dma_wait3A_77 = tpu.memref_squeeze %dma_wait3A_76 : memref<1x125xi32, #tpu.memory_space<vmem>> -> memref<125xi32, #tpu.memory_space<vmem>>
      %dma_wait3A_78 = arith.constant 0 : i32
      %dma_wait3A_79 = arith.constant 0 : i32
      %dma_wait3A_80 = tpu.memref_slice %arg4[%dma_wait3A_78, %dma_wait3A_79] : memref<10000x128xf32, #tpu.memory_space<hbm>> -> memref<10000x128xf32, #tpu.memory_space<hbm>>
      tpu.wait_indirect_dma semaphore(%arg13 : memref<!tpu.dma_semaphore, #tpu.memory_space<semaphore_mem>>) src(%dma_wait3A_80 : memref<10000x128xf32, #tpu.memory_space<hbm>>) dst(%arg10 : memref<125x128xf32, #tpu.memory_space<vmem>>)
      %add3A_81 = arith.constant 1 : i32
      %add3A_82 = arith.addi %mul3A_54, %add3A_81 : i32
      "tpu.region"() ({
        %run_scoped3A = tpu.sem_alloc : memref<!tpu.dma_semaphore, #tpu.memory_space<semaphore_mem>>
        %dma_start3A_83 = arith.constant 0 : i32
        %dma_start3A_84 = tpu.memref_slice %arg8[%add3A_82, %dma_start3A_83] : memref<40x125xi32, #tpu.memory_space<vmem>> -> memref<1x125xi32, #tpu.memory_space<vmem>>
        %dma_start3A_85 = tpu.memref_squeeze %dma_start3A_84 : memref<1x125xi32, #tpu.memory_space<vmem>> -> memref<125xi32, #tpu.memory_space<vmem>>
        %dma_start3A_86 = arith.constant 0 : i32
        %dma_start3A_87 = arith.constant 0 : i32
        %dma_start3A_88 = tpu.memref_slice %arg11[%dma_start3A_86, %dma_start3A_87] : memref<10000x128xf32, #tpu.memory_space<vmem_shared>> -> memref<10000x128xf32, #tpu.memory_space<vmem_shared>>
        tpu.enqueue_indirect_dma source(%arg10 : memref<125x128xf32, #tpu.memory_space<vmem>>) target(%dma_start3A_88 : memref<10000x128xf32, #tpu.memory_space<vmem_shared>>) offsets(%dma_start3A_85 : memref<125xi32, #tpu.memory_space<vmem>>) semaphore(%run_scoped3A : memref<!tpu.dma_semaphore, #tpu.memory_space<semaphore_mem>>) {add = true}
        %dma_wait3A_89 = arith.constant 0 : i32
        %dma_wait3A_90 = tpu.memref_slice %arg8[%add3A_82, %dma_wait3A_89] : memref<40x125xi32, #tpu.memory_space<vmem>> -> memref<1x125xi32, #tpu.memory_space<vmem>>
        %dma_wait3A_91 = tpu.memref_squeeze %dma_wait3A_90 : memref<1x125xi32, #tpu.memory_space<vmem>> -> memref<125xi32, #tpu.memory_space<vmem>>
        %dma_wait3A_92 = arith.constant 0 : i32
        %dma_wait3A_93 = arith.constant 0 : i32
        %dma_wait3A_94 = tpu.memref_slice %arg11[%dma_wait3A_92, %dma_wait3A_93] : memref<10000x128xf32, #tpu.memory_space<vmem_shared>> -> memref<10000x128xf32, #tpu.memory_space<vmem_shared>>
        tpu.wait_indirect_dma semaphore(%run_scoped3A : memref<!tpu.dma_semaphore, #tpu.memory_space<semaphore_mem>>) src(%arg10 : memref<125x128xf32, #tpu.memory_space<vmem>>) dst(%dma_wait3A_94 : memref<10000x128xf32, #tpu.memory_space<vmem_shared>>)
        tpu.yield
      }) : () -> ()
    }
    %scan3A_40 = arith.constant 20 : i32
    %barrier3A_41 = arith.constant 0 : index
    tpu.barrier barrier_id(%barrier3A_41)
    %lt3A_42 = arith.constant 15 : i32
    %lt3A_43 = arith.cmpi slt, %arg1, %lt3A_42 : i32
    %convert_element_type3A_44 = arith.extui %lt3A_43 : i1 to i32
    %cond3A_45 = arith.constant 0 : i32
    %cond3A_46 = arith.cmpi ne, %convert_element_type3A_44, %cond3A_45 : i32
    scf.if %cond3A_46 {
      %mul3A_52 = arith.constant 632 : i32
      %mul3A_53 = arith.muli %arg1, %mul3A_52 : i32
      %multiple_of3A = tpu.assume_multiple %mul3A_53, 8 : i32
      %mul3A_54 = arith.constant 10000 : i32
      %mul3A_55 = arith.muli %arg0, %mul3A_54 : i32
      %mul3A_56 = arith.constant 632 : i32
      %mul3A_57 = arith.muli %arg1, %mul3A_56 : i32
      %add3A_58 = arith.addi %mul3A_55, %mul3A_57 : i32
      %multiple_of3A_59 = tpu.assume_multiple %add3A_58, 8 : i32
      "tpu.region"() ({
        %run_scoped3A = tpu.sem_alloc : memref<!tpu.dma_semaphore, #tpu.memory_space<semaphore_mem>>
        %dma_start3A_60 = arith.constant 0 : i32
        %dma_start3A_61 = tpu.memref_slice %arg6[%multiple_of3A_59, %dma_start3A_60] : memref<20000x128xf32, #tpu.memory_space<hbm>> -> memref<632x128xf32, #tpu.memory_space<hbm>>
        %dma_start3A_62 = arith.constant 0 : i32
        %dma_start3A_63 = tpu.memref_slice %arg11[%multiple_of3A, %dma_start3A_62] : memref<10000x128xf32, #tpu.memory_space<vmem_shared>> -> memref<632x128xf32, #tpu.memory_space<vmem_shared>>
        tpu.enqueue_dma source(%dma_start3A_63 : memref<632x128xf32, #tpu.memory_space<vmem_shared>>) target(%dma_start3A_61 : memref<632x128xf32, #tpu.memory_space<hbm>>) target_semaphore(%run_scoped3A : memref<!tpu.dma_semaphore, #tpu.memory_space<semaphore_mem>>)
        %dma_wait3A = arith.constant 0 : i32
        %dma_wait3A_64 = tpu.memref_slice %arg6[%multiple_of3A_59, %dma_wait3A] : memref<20000x128xf32, #tpu.memory_space<hbm>> -> memref<632x128xf32, #tpu.memory_space<hbm>>
        %dma_wait3A_65 = arith.constant 0 : i32
        %dma_wait3A_66 = tpu.memref_slice %arg11[%multiple_of3A, %dma_wait3A_65] : memref<10000x128xf32, #tpu.memory_space<vmem_shared>> -> memref<632x128xf32, #tpu.memory_space<vmem_shared>>
        tpu.wait_dma2 semaphore(%run_scoped3A : memref<!tpu.dma_semaphore, #tpu.memory_space<semaphore_mem>>) src(%dma_wait3A_66 : memref<632x128xf32, #tpu.memory_space<vmem_shared>>) dst(%dma_wait3A_64 : memref<632x128xf32, #tpu.memory_space<hbm>>)
        tpu.yield
      }) : () -> ()
    } else {
    }
    %eq3A_47 = arith.constant 15 : i32
    %eq3A_48 = arith.cmpi eq, %arg1, %eq3A_47 : i32
    %convert_element_type3A_49 = arith.extui %eq3A_48 : i1 to i32
    %cond3A_50 = arith.constant 0 : i32
    %cond3A_51 = arith.cmpi ne, %convert_element_type3A_49, %cond3A_50 : i32
    scf.if %cond3A_51 {
      %mul3A_52 = arith.constant 10000 : i32
      %mul3A_53 = arith.muli %arg0, %mul3A_52 : i32
      %add3A_54 = arith.constant 9480 : i32
      %add3A_55 = arith.addi %mul3A_53, %add3A_54 : i32
      %multiple_of3A = tpu.assume_multiple %add3A_55, 8 : i32
      "tpu.region"() ({
        %run_scoped3A = tpu.sem_alloc : memref<!tpu.dma_semaphore, #tpu.memory_space<semaphore_mem>>
        %dma_start3A_56 = arith.constant 0 : i32
        %dma_start3A_57 = tpu.memref_slice %arg6[%multiple_of3A, %dma_start3A_56] : memref<20000x128xf32, #tpu.memory_space<hbm>> -> memref<520x128xf32, #tpu.memory_space<hbm>>
        %dma_start3A_58 = arith.constant 9480 : i32
        %dma_start3A_59 = arith.constant 0 : i32
        %dma_start3A_60 = tpu.memref_slice %arg11[%dma_start3A_58, %dma_start3A_59] : memref<10000x128xf32, #tpu.memory_space<vmem_shared>> -> memref<520x128xf32, #tpu.memory_space<vmem_shared>>
        tpu.enqueue_dma source(%dma_start3A_60 : memref<520x128xf32, #tpu.memory_space<vmem_shared>>) target(%dma_start3A_57 : memref<520x128xf32, #tpu.memory_space<hbm>>) target_semaphore(%run_scoped3A : memref<!tpu.dma_semaphore, #tpu.memory_space<semaphore_mem>>)
        %dma_wait3A = arith.constant 0 : i32
        %dma_wait3A_61 = tpu.memref_slice %arg6[%multiple_of3A, %dma_wait3A] : memref<20000x128xf32, #tpu.memory_space<hbm>> -> memref<520x128xf32, #tpu.memory_space<hbm>>
        %dma_wait3A_62 = arith.constant 9480 : i32
        %dma_wait3A_63 = arith.constant 0 : i32
        %dma_wait3A_64 = tpu.memref_slice %arg11[%dma_wait3A_62, %dma_wait3A_63] : memref<10000x128xf32, #tpu.memory_space<vmem_shared>> -> memref<520x128xf32, #tpu.memory_space<vmem_shared>>
        tpu.wait_dma2 semaphore(%run_scoped3A : memref<!tpu.dma_semaphore, #tpu.memory_space<semaphore_mem>>) src(%dma_wait3A_64 : memref<520x128xf32, #tpu.memory_space<vmem_shared>>) dst(%dma_wait3A_61 : memref<520x128xf32, #tpu.memory_space<hbm>>)
        tpu.yield
      }) : () -> ()
    } else {
    }
    return
  }
}

module attributes {stable_mosaic.version = 14 : i64} {
  func.func @_combine_body(%arg0: memref<20000x128xf32, #tpu.memory_space<vmem>>, %arg1: memref<10000x128xf32, #tpu.memory_space<vmem>>) attributes {dimension_semantics = [], scalar_prefetch = 0 : i64, scratch_operands = 0 : i64, tpu.core_type = #tpu.core_type<tc>} {
    %get3A = arith.constant 0 : index
    %get3A_0 = arith.constant 0 : index
    %get3A_1 = vector.load %arg0[%get3A, %get3A_0] : memref<20000x128xf32, #tpu.memory_space<vmem>>, vector<10000x128xf32>
    %get3A_2 = arith.constant 10000 : index
    %get3A_3 = arith.constant 0 : index
    %get3A_4 = vector.load %arg0[%get3A_2, %get3A_3] : memref<20000x128xf32, #tpu.memory_space<vmem>>, vector<10000x128xf32>
    %add3A = arith.addf %get3A_1, %get3A_4 : vector<10000x128xf32>
    %swap3A = arith.constant 0 : index
    %swap3A_5 = arith.constant 0 : index
    %swap3A_6 = vector.load %arg1[%swap3A, %swap3A_5] : memref<10000x128xf32, #tpu.memory_space<vmem>>, vector<10000x128xf32>
    tpu.vector_store %arg1[%swap3A, %swap3A_5], %add3A {strides = array<i32>} : memref<10000x128xf32, #tpu.memory_space<vmem>>, vector<10000x128xf32>,
    return
  }
}

module attributes {stable_mosaic.version = 14 : i64} {
  func.func @_combine_mlp_body(%arg0: memref<20000x128xf32, #tpu.memory_space<vmem>>, %arg1: memref<128x128xf32, #tpu.memory_space<vmem>>, %arg2: memref<1x128xf32, #tpu.memory_space<vmem>>, %arg3: memref<128x128xf32, #tpu.memory_space<vmem>>, %arg4: memref<1x128xf32, #tpu.memory_space<vmem>>, %arg5: memref<10000x128xf32, #tpu.memory_space<vmem>>) attributes {dimension_semantics = [], scalar_prefetch = 0 : i64, scratch_operands = 0 : i64, tpu.core_type = #tpu.core_type<tc>} {
    %get3A = arith.constant 0 : index
    %get3A_0 = arith.constant 0 : index
    %get3A_1 = vector.load %arg0[%get3A, %get3A_0] : memref<20000x128xf32, #tpu.memory_space<vmem>>, vector<10000x128xf32>
    %get3A_2 = arith.constant 10000 : index
    %get3A_3 = arith.constant 0 : index
    %get3A_4 = vector.load %arg0[%get3A_2, %get3A_3] : memref<20000x128xf32, #tpu.memory_space<vmem>>, vector<10000x128xf32>
    %add3A = arith.addf %get3A_1, %get3A_4 : vector<10000x128xf32>
    %get3A_5 = arith.constant 0 : index
    %get3A_6 = arith.constant 0 : index
    %get3A_7 = vector.load %arg1[%get3A_5, %get3A_6] : memref<128x128xf32, #tpu.memory_space<vmem>>, vector<128x128xf32>
    %dot_general3A = arith.constant dense<0.000000e+00> : vector<10000x128xf32>
    %dot_general3A_8 = tpu.matmul %add3A, %get3A_7, %dot_general3A {dimension_numbers = #tpu.dot_dimension_numbers<[1], [1], [0], [0], [0, 0, 1, 0], [], []>, transpose_lhs_hint = false} : vector<10000x128xf32>, vector<128x128xf32>, vector<10000x128xf32> -> vector<10000x128xf32>
    %get3A_9 = arith.constant 0 : index
    %get3A_10 = arith.constant 0 : index
    %get3A_11 = vector.load %arg2[%get3A_9, %get3A_10] : memref<1x128xf32, #tpu.memory_space<vmem>>, vector<1x128xf32>
    %add3A_12 = vector.broadcast %get3A_11 : vector<1x128xf32> to vector<10000x128xf32>
    %add3A_13 = arith.addf %dot_general3A_8, %add3A_12 : vector<10000x128xf32>
    %get3A_14 = arith.constant 0 : index
    %get3A_15 = arith.constant 0 : index
    %get3A_16 = vector.load %arg3[%get3A_14, %get3A_15] : memref<128x128xf32, #tpu.memory_space<vmem>>, vector<128x128xf32>
    %dot_general3A_17 = arith.constant dense<0.000000e+00> : vector<10000x128xf32>
    %dot_general3A_18 = tpu.matmul %add3A_13, %get3A_16, %dot_general3A_17 {dimension_numbers = #tpu.dot_dimension_numbers<[1], [1], [0], [0], [0, 0, 1, 0], [], []>, transpose_lhs_hint = false} : vector<10000x128xf32>, vector<128x128xf32>, vector<10000x128xf32> -> vector<10000x128xf32>
    %get3A_19 = arith.constant 0 : index
    %get3A_20 = arith.constant 0 : index
    %get3A_21 = vector.load %arg4[%get3A_19, %get3A_20] : memref<1x128xf32, #tpu.memory_space<vmem>>, vector<1x128xf32>
    %add3A_22 = vector.broadcast %get3A_21 : vector<1x128xf32> to vector<10000x128xf32>
    %add3A_23 = arith.addf %dot_general3A_18, %add3A_22 : vector<10000x128xf32>
    %swap3A = arith.constant 0 : index
    %swap3A_24 = arith.constant 0 : index
    %swap3A_25 = vector.load %arg5[%swap3A, %swap3A_24] : memref<10000x128xf32, #tpu.memory_space<vmem>>, vector<10000x128xf32>
    tpu.vector_store %arg5[%swap3A, %swap3A_24], %add3A_23 {strides = array<i32>} : memref<10000x128xf32, #tpu.memory_space<vmem>>, vector<10000x128xf32>,
    return
  }
}

</mosaic_0001>

<sc_bundles>
// kernel: kernel.6.cloned.1.call-start
scs
__scs_entry_jumppad:
0x0: {  	(pc) =	sbr.rel $0x88, $3  }
0x1: {  	(tag) =	ssettag $0x0;
	lr =	simm.s32 $0x1  }
0x2: {  	[smem:$0x3F9B] =	sst lr;
	_ =	strace $0xD0000000  }
0x3: {  	_ = 	snop  }
0x4: {  	_ = 	snop  }
0x5: {  	_ = 	snop  }
0x6: {  	_ = 	snop  }
0x7: {  	_ = 	snop  }
__scs_overlays_trampoline_lowered:
0x8: {  	[smem:$0x3FAA] =	sst s0  }
0x9: {  	[smem:$0x3FAB] =	sst s1  }
0xa: {  	[smem:$0x3FAC] =	sst s2  }
0xb: {  	[smem:$0x3FAD] =	sst s3  }
0xc: {  	[smem:$0x3FAE] =	sst s4  }
0xd: {  	[smem:$0x3FAF] =	sst s5  }
0xe: {  	[smem:$0x3FB0] =	sst s6  }
0xf: {  	[smem:$0x3FB1] =	sst s7  }
0x10: {  	[smem:$0x3FB2] =	sst s8  }
0x11: {  	[smem:$0x3FB3] =	sst s9;
	s0 =	simm.s32 @!p0 $0x0  }
0x12: {  	s1 =	sld [smem:$0x3F99];
	s0 =	simm.s32 @p0 $0x1  }
0x13: {  	[smem:$0x3FB4] =	sst s0;
	s0 =	simm.s32 @!p1 $0x0  }
0x14: {  	s2 =	sld [smem:$0x3F98];
	s0 =	simm.s32 @p1 $0x1  }
0x15: {  	[smem:$0x3FB5] =	sst s0;
	s0 =	simm.s32 @!p2 $0x0  }
0x16: {  	s3 =	sld [smem:$0x3FDB];
	s0 =	simm.s32 @p2 $0x1  }
0x17: {  	s4 =	simm.s32 $0x1BF5;
	[smem:$0x3FB7] =	sst s0  }
0x18: {  	s0 =	sld [smem:$0x3F9A];
	_ =	swait.ge [sflag:s4], $0x0  }
0x19: {  	s7 =	sld [smem:$0x3F9B]  }
0x1a: {  	s8 =	sadd.s32 $0xFFFFE003, lr  }
0x1b: {  	s9 =	sadd.s32 $0xFFFFFEF7, lr;
	s5 =	simm.s32 $0xFFFFFFFF;
	p2 =	slt.u32 s8, $0xFFFFF086  }
0x1c: {  	p1 =	slt.u32 s9, $0xF7A;
	s5 =	simm.s32 @!p2 $0x0  }
0x1d: {  	s5 =	simm.s32 @p1 $0x1;
	p0 =	seq.s32 s7, s2  }
0x1e: {  	s7 =	smul.u32 @!p0 $0xF7A, s2;
	p2 =	seq.s32 @!p0 s5, $0x0  }
0x1f: {  	s9 =	smul.u32 $0xF7A, s1;
	s8 =	simm.s32 @!p0 $0x1BF5;
	p2 =	por !p2, p0  }
0x20: {  	[sflag:s8] =	ssyncset.s32 @!p0 $0xFFFFF086;
	s6 =	sadd.s32 @!p0 s3, s7;
	s7 =	simm.s32 @!p0 $0x108  }
0x21: {  	s3 =	sadd.s32 s3, s9;
	s6 =	sadd.s32 @!p0 $0x88, s6;
	s7 =	simm.s32 @p2 $0x1082  }
0x22: {  	[simem:s7], [sflag:s8] =	dma.local @!p0 [hbm:s6], $0xF7A  }
0x23: {  	s9 =	sor.u32 $0xD0000000, s2;
	s6 =	simm.s32 $0x108;
	_ =	swait.ge @!p0 [sflag:s8], $0x0  }
0x24: {  	s3 =	sadd.s32 $0x88, s3;
	s6 =	simm.s32 @!p1 $0x1082;
	[sflag:s4] =	ssyncset.s32 $0xFFFFF086  }
0x25: {  	[simem:s6], [sflag:s4] =	dma.local [hbm:s3], $0xF7A  }
0x26: {  	[smem:$0x3F9B] =	sst s1;
	(tag) =	ssettag s2;
	_ =	strace s9  }
0x27: {  	s1 =	sld [smem:$0x3FAB]  }
0x28: {  	s2 =	sld [smem:$0x3FAC]  }
0x29: {  	s4 =	sld [smem:$0x3FAE]  }
0x2a: {  	p0 =	seq.s32 s5, $0x0;
	s5 =	sld [smem:$0x3FAF]  }
0x2b: {  	s6 =	sld [smem:$0x3FB0]  }
0x2c: {  	s7 =	sld [smem:$0x3FB1]  }
0x2d: {  	s3 =	simm.s32 $0x108;
	s8 =	sld [smem:$0x3FB2]  }
0x2e: {  	s3 =	simm.s32 @!p0 $0x1082;
	s9 =	sld [smem:$0x3FB3]  }
0x2f: {  	lr =	sadd.s32 s0, s3;
	s0 =	sld [smem:$0x3FAA]  }
0x30: {  	s3 =	sld [smem:$0x3FAD]  }
0x31: {  	[smem:$0x3FB6] =	sst s10  }
0x32: {  	s10 =	sld [smem:$0x3FB4];
	_ =	sdelay $0x3  }
0x33: {  	p0 =	seq.s32 s10, $0x1;
	s10 =	sld [smem:$0x3FB6];
	_ =	sdelay $0x3  }
0x34: {  	[smem:$0x3FB6] =	sst s10  }
0x35: {  	s10 =	sld [smem:$0x3FB5];
	_ =	sdelay $0x3  }
0x36: {  	p1 =	seq.s32 s10, $0x1;
	s10 =	sld [smem:$0x3FB6];
	_ =	sdelay $0x3  }
0x37: {  	[smem:$0x3FB6] =	sst s10  }
0x38: {  	s10 =	sld [smem:$0x3FB7]  }
0x39: {  	_ = 	snop;
	(pc) =	sbr.ind lr, $3  }
0x3a: {  	_ = 	snop  }
0x3b: {  	_ = 	snop  }
0x3c: {  	p2 =	seq.s32 s10, $0x1;
	s10 =	sld [smem:$0x3FB6]  }
0x3d: {  	_ =	shalt  }
0x3e: {  	_ =	shalt  }
0x3f: {  	_ =	shalt  }
0x40: {  	_ =	shalt  }
0x41: {  	_ =	shalt  }
0x42: {  	_ =	shalt  }
0x43: {  	_ =	shalt  }
0x44: {  	_ =	shalt  }
0x45: {  	_ =	shalt  }
0x46: {  	_ =	shalt  }
0x47: {  	_ =	shalt  }
0x48: {  	_ =	shalt  }
0x49: {  	_ =	shalt  }
0x4a: {  	_ =	shalt  }
0x4b: {  	_ =	shalt  }
0x4c: {  	_ =	shalt  }
0x4d: {  	_ =	shalt  }
0x4e: {  	_ =	shalt  }
0x4f: {  	_ =	shalt  }
0x50: {  	_ =	shalt  }
0x51: {  	_ =	shalt  }
0x52: {  	_ =	shalt  }
0x53: {  	_ =	shalt  }
0x54: {  	_ =	shalt  }
0x55: {  	_ =	shalt  }
0x56: {  	_ =	shalt  }
0x57: {  	_ =	shalt  }
0x58: {  	_ =	shalt  }
0x59: {  	_ =	shalt  }
0x5a: {  	_ =	shalt  }
0x5b: {  	_ =	shalt  }
0x5c: {  	_ =	shalt  }
0x5d: {  	_ =	shalt  }
0x5e: {  	_ =	shalt  }
0x5f: {  	_ =	shalt  }
0x60: {  	_ =	shalt  }
0x61: {  	_ =	shalt  }
0x62: {  	_ =	shalt  }
0x63: {  	_ =	shalt  }
0x64: {  	_ =	shalt  }
0x65: {  	_ =	shalt  }
0x66: {  	_ =	shalt  }
0x67: {  	_ =	shalt  }
0x68: {  	_ =	shalt  }
0x69: {  	_ =	shalt  }
0x6a: {  	_ =	shalt  }
0x6b: {  	_ =	shalt  }
0x6c: {  	_ =	shalt  }
0x6d: {  	_ =	shalt  }
0x6e: {  	_ =	shalt  }
0x6f: {  	_ =	shalt  }
0x70: {  	_ =	shalt  }
0x71: {  	_ =	shalt  }
0x72: {  	_ =	shalt  }
0x73: {  	_ =	shalt  }
0x74: {  	_ =	shalt  }
0x75: {  	_ =	shalt  }
0x76: {  	_ =	shalt  }
0x77: {  	_ =	shalt  }
0x78: {  	_ =	shalt  }
0x79: {  	_ =	shalt  }
0x7a: {  	_ =	shalt  }
0x7b: {  	_ =	shalt  }
0x7c: {  	_ =	shalt  }
0x7d: {  	_ =	shalt  }
0x7e: {  	_ =	shalt  }
0x7f: {  	_ =	shalt  }
0x80: {  	_ =	shalt  }
0x81: {  	_ =	shalt  }
0x82: {  	_ =	shalt  }
0x83: {  	_ =	shalt  }
0x84: {  	_ =	shalt  }
0x85: {  	_ =	shalt  }
0x86: {  	_ =	shalt  }
0x87: {  	_ =	shalt  }
.Lfunc_end0:
.L_simem_size_0:
called_computation_lowered:
.L_overlay_start_0:
0x88: {  	s2 =	sld [smem:$0x3FD9]  }
0x89: {  	s3 =	sld [smem:$0x3FFE];
	_ =	sdelay $0x1  }
0x8a: {  	s1 =	srdreg.scid  }
0x8b: {  	s0 =	sand.u32 $0x1, s1  }
0x8c: {  	s17 =	sshll.u32 s0, $0xA;
	s2 =	sadd.s32 s3, s2  }
0x8d: {  	s2 =	sadd.s32 s2, s17  }
0x8e: {  	[smem:$0x3FC2] =	sst s2  }
0x8f: {  	_ = 	snop  }
0x90: {  	s2 =	sld [smem:$0x3FC9];
	(tm) =	ssettm $0x1  }
0x91: {  	s18 =	sld [smem:$0x3FFB];
	_ =	sdelay $0x3  }
0x92: {  	_ =	strace s18  }
0x93: {  	s3 =	sld [smem:$0x3FFC];
	_ =	sdelay $0x3  }
0x94: {  	_ =	strace s3  }
0x95: {  	s3 =	sld [smem:$0x3FFD];
	_ =	sdelay $0x3  }
0x96: {  	_ =	strace s3  }
0x97: {  	_ =	strace $0x8FFFFFFF  }
0x98: {  	s19 =	sld [smem:$0x3FDB];
	_ =	sdelay $0x1  }
0x99: {  	s4 =	simm.s32 $_scs_section_size  }
0x9a: {  	s5 =	simm.s32 $_size__tile_overlayer_lowered;
	s6 =	simm.s32 $_tile_overlayer_lowered  }
0x9b: {  	s22 =	simm.s32 $0x1BFF;
	s21 =	sshll.u32 s6, $0x1;
	s3 =	sadd.s32 s4, s19  }
0x9c: {  	s7 =	simm.s32 $0x0;
	s20 =	sshll.u32 s5, $0x1;
	s5 =	sadd.s32 s21, s3  }
0x9d: {  	[timem:s7], [sflag:s22] =	dma.local [hbm:s5], s20  }
0x9e: {  	_ =	swait.ge [sflag:s22], s20  }
0x9f: {  	s4 =	ssub.s32 $0x0, s20;
	[sflag:s22] =	ssyncset.done $0x0  }
0xa0: {  	[sflag:s22] =	ssyncadd.s32 s4;
	_ =	sdelay $0x1  }
0xa1: {  	s23 =	simm.s32 $0x1B8B  }
0xa2: {  	_ =	swait.ge [sflag:s23], $0x1  }
0xa3: {  	[sflag:s23] =	ssyncset.done $0x0  }
0xa4: {  	s25 =	simm.s32 $0x1B8E;
	s24 =	sld [smem:$0x3FFE];
	[sflag:s23] =	ssyncadd.s32 $0xFFFFFFFF  }
0xa5: {  	s26 =	simm.s32 $execute0_lowered;
	[smem:$0x3FD2] =	sst s25  }
0xa6: {  	s5 =	sshll.u32 s26, $0x1;
	_ =	strace $0x80000046;
	[dreg:$0x1] =	wrdreg $0xFFFFFFFF  }
0xa7: {  	s28 =	simm.s32 $_size_execute0_lowered;
	s3 =	sadd.s32 s3, s5;
	[dreg:$0x0] =	wrdreg $0x0  }
0xa8: {  	s5 =	sshll.u32 s28, $0x1;
	[dreg:$0x2] =	wrdreg s3  }
0xa9: {  	[dreg:$0x3] =	wrdreg s5  }
0xaa: {  	[dreg:$0x4] =	wrdreg $0xC0  }
0xab: {  	_ =	task [dreg:s7], $0x5FFFF  }
0xac: {  	[dreg:$0x1] =	wrdreg $0xFFFFFFFF  }
0xad: {  	[dreg:$0x0] =	wrdreg $0x60  }
0xae: {  	[dreg:$0x2] =	wrdreg s24  }
0xaf: {  	[dreg:$0x3] =	wrdreg s2  }
0xb0: {  	[dreg:$0x4] =	wrdreg $0xA8000  }
0xb1: {  	[dreg:$0x5] =	wrdreg $0x9  }
0xb2: {  	_ =	task.clear_ibuf [dreg:s7], $0x6FFFF;
	_ =	strace $0x90000046  }
0xb3: {  	s29 =	simm.s32 $0x9;
	_ =	strace $0x80000048  }
0xb4: {  	_ =	swait.ge [sflag:s29], $0x1  }
0xb5: {  	[sflag:s29] =	ssyncadd.s32 $0xFFFFFFFF  }
0xb6: {  	_ =	strace $0x90000048  }
0xb7: {  	_ =	sfence  }
0xb8: {  	s30 =	sld [smem:$0x0];
	_ =	sdelay $0x2  }
0xb9: {  	s31 =	sshll.u32 s1, $0xD;
	s1 =	sshrl.u32 s1, $0x2  }
0xba: {  	s3 =	sand.u32 $0x4000, s31;
	s1 =	sadd.s32 s1, s30  }
0xbb: {  	s0 =	sor.u32 s3, s0;
	s1 =	sshll.u32 s1, $0x11  }
0xbc: {  	s0 =	sor.u32 s1, s0  }
0xbd: {  	s0 =	sadd.s32 $0x8F2B, s0  }
0xbe: {  	[sflag:s0] =	ssyncadd.remote.s32 $0x1  }
0xbf: {  	_ =	sfence.sel $0xFFFF  }
0xc0: {  	[dreg:$0x0] =	wrdreg $0xFFFFFFFF;
	(pc) =	sbr.abs _section_cstart, $3  }
0xc1: {  	[dreg:$0x1] =	wrdreg $0xFFFFFFFF  }
0xc2: {  	_ =	task.clear_ibuf [dreg:s7], $0x2FFFF;
	_ =	strace $0x9FFFFFFF  }
0xc3: {  	(tm) =	ssettm $0x7FFFFFFF  }
tec
execute0_lowered:
.L_overlay_start_1:
0x0: {  	(tag) =	ssettag $0x1  }
0x1: {  	s6 =	rddreg [dreg:$0x0]  }
0x2: {  	s1 =	rddreg [dreg:$0x1]  }
0x3: {  	s2 =	rddreg [dreg:$0x2]  }
0x4: {  	s3 =	simm.s32 $0x0;
	s4 =	srdreg.scid;
	s0 =	stileid.u32  }
0x5: {  	s18 =	simm.s32 $0x1400;
	s19 =	simm.s32 $0x7D;
	s20 =	simm.s32 $0x2800  }
0x6: {  	s21 =	simm.s32 $0x6800;
	s22 =	simm.s32 $0x1;
	s23 =	simm.s32 $0x2  }
0x7: {  	s24 =	simm.s32 $0x1380;
	s28 =	simm.s32 $0x0;
	[smem:$0x7FF] =	sst s3  }
0x8: {  	s8 =	sadd.s32 $0xAE00, s6;
	s7 =	sand.u32 $0x1, s4;
	s9 =	sadd.s32 $0xE00, s6  }
0x9: {  	s12 =	smul.u32 $0x4F000, s0;
	s14 =	sadd.s32 $0x17600, s6;
	s15 =	sadd.s32 $0x128400, s2  }
0xa: {  	s17 =	smul.u32 $0x2780, s0;
	p0 =	seq.s32 s0, $0xF;
	_ =	strace $0x80000047  }
0xb: {  	s5 =	sshll.u32 s7, $0x4;
	s10 =	ssub.s32 $0x2, s7;
	s29 =	smul.u32 $0x27100, s7  }
0xc: {  	s30 =	smul.u32 $0x138800, s7;
	s11 =	sor.u32 s0, s5;
	s5 =	sadd.s32 $0x14E00, s6  }
0xd: {  	s13 =	sshrl.u32 s10, $0x1;
	s25 =	sshrl.u32 s12, $0x2;
	s11 =	smul.u32 $0x2800, s11  }
0xe: {  	s13 =	ssub.s32 s10, s13;
	s16 =	sadd.s32 s25, s2;
	s31 =	sshrl.u32 s30, $0x3  }
0xf: {  	s25 =	simm.s32 $0x2700;
	s12 =	sadd.s32 s14, s31;
	s13 =	smax.u32 s13, $0x1  }
0x10: {  	s16 =	sshrl.u32 @!p0 s16, $0x3;
	s26 =	sshrl.u32 s11, $0x3;
	s11 =	sadd.s32 s17, s29  }
0x11: {  	s17 =	simm.s32 $0x4;
	s6 =	sadd.s32 s8, s26;
	s10 =	sadd.s32 $0x280, s26  }
0x12: {  	s7 =	sadd.s32 s9, s26;
	s8 =	sadd.s32 s8, s10;
	s9 =	sadd.s32 s9, s10  }
0x13: {  	s10 =	sadd.s32 s14, s11;
	s11 =	sadd.s32 $0x25080, s12;
	s12 =	sshll.u32 @!p0 s0, $0x6  }
0x14: {  	s26 =	simm.s32 $0x2780;
	s14 =	sshrl.u32 @p0 s15, $0x3;
	s15 =	sor.u32 @!p0 $0x1C03, s12  }
.LBB2_1:
0x15: {  	s29 =	simm.s32 @p0 $0x1FC3  }
0x16: {  	[spmem:s14], [sflag:s29] =	dma.local @p0 [hbm:s5], $0x2080  }
0x17: {  	s29 =	simm.s32 @p0 $0x3  }
0x18: {  	_ =	swait.ge @p0 [sflag:s29], $0x2080  }
0x19: {  	[sflag:s29] =	ssyncset.done @p0 $0x0  }
0x1a: {  	[sflag:s29] =	ssyncadd.s32 @p0 $0xFFFFDF80;
	s29 =	simm.s32 @!p0 $0x3  }
0x1b: {  	[spmem:s16], [sflag:s15] =	dma.local @!p0 [hbm:s5], $0x2780  }
0x1c: {  	_ =	swait.ge @!p0 [sflag:s29], $0x2780  }
0x1d: {  	[sflag:s29] =	ssyncset.done @!p0 $0x0  }
0x1e: {  	[sflag:s29] =	ssyncadd.s32 @!p0 $0xFFFFD880  }
0x1f: {  	[bflag:$0x0] =	sbarrier.arrive $0xFFFF  }
0x20: {  	[tilespmem:s3], [sflag:$0x4] =	stream.linear.gather [hbm4b:s6+s3], $0x1400, $0x38;
	[tilespmem:$0x1E080] =	vst v63  }
0x21: {  	_ =	swait.ge [sflag:s17], $0x1400  }
0x22: {  	[sflag:s17] =	ssyncset.done $0x0  }
0x23: {  	[sflag:s17] =	ssyncadd.s32 $0xFFFFEC00  }
0x24: {  	[tilespmem:s18], [sflag:$0x4] =	stream.linear.gather [hbm4b:s7+s3], $0x1400, $0x38;
	[tilespmem:$0x1E080] =	vst v63  }
0x25: {  	_ =	swait.ge [sflag:s17], $0x1400  }
0x26: {  	[sflag:s17] =	ssyncset.done $0x0  }
0x27: {  	[sflag:s17] =	ssyncadd.s32 $0xFFFFEC00  }
0x28: {  	[tilespmem:s20], [sflag:$0x1] =	stream.indirect.gather [hbm4b:s1+s19], $0x80, s3, s19, $0xb8;
	[tilespmem:$0x1E080] =	vst v63  }
0x29: {  	s29 =	simm.s32 $0x80  }
0x2a: {  	[tilespmem:s21], [sflag:$0x2] =	stream.indirect.gather [hbm4b:s1+s19], $0x80, s29, s19, $0xb8;
	[tilespmem:$0x1E080] =	vst v63  }
0x2b: {  	_ =	swait.ge [sflag:s22], $0x3E80  }
0x2c: {  	[sflag:s22] =	ssyncset.done $0x0  }
0x2d: {  	s29 =	simm.s32 $0x1400;
	[sflag:s22] =	ssyncadd.s32 $0xFFFFC180  }
0x2e: {  	[spmem:s2] =	stream.indirect.scatter.add.f32 [tilespmem:s20], [sflag:$0x4], $0x80, s29, s19, $0xb8;
	[tilespmem:$0x1E080] =	vst v63  }
0x2f: {  	_ =	swait.ge [sflag:s17], $0x3E80  }
0x30: {  	[sflag:s17] =	ssyncset.done $0x0  }
0x31: {  	s29 =	simm.s32 $0x100;
	[sflag:s17] =	ssyncadd.s32 $0xFFFFC180  }
0x32: {  	[tilespmem:s20], [sflag:$0x1] =	stream.indirect.gather [hbm4b:s1+s19], $0x80, s29, s19, $0xb8;
	[tilespmem:$0x1E080] =	vst v63  }
0x33: {  	_ =	swait.ge [sflag:s23], $0x3E80  }
0x34: {  	[sflag:s23] =	ssyncset.done $0x0  }
0x35: {  	s29 =	simm.s32 $0x1480;
	[sflag:s23] =	ssyncadd.s32 $0xFFFFC180  }
0x36: {  	[spmem:s2] =	stream.indirect.scatter.add.f32 [tilespmem:s21], [sflag:$0x4], $0x80, s29, s19, $0xb8;
	[tilespmem:$0x1E080] =	vst v63  }
0x37: {  	_ =	swait.ge [sflag:s17], $0x3E80  }
0x38: {  	s30 =	simm.s32 $0x800;
	s29 =	simm.s32 $0x100;
	[sflag:s17] =	ssyncset.done $0x0  }
.LBB2_2:
0x39: {  	s31 =	sadd.s32 $0x80, s29  }
0x3a: {  	[sflag:s17] =	ssyncadd.s32 $0xFFFFC180;
	s0 =	smov.u32 s30;
	s4 =	sadd.s32 $0x400, s30  }
0x3b: {  	[tilespmem:s21], [sflag:$0x2] =	stream.indirect.gather [hbm4b:s1+s19], $0x80, s31, s19, $0xb8;
	[tilespmem:$0x1E080] =	vst v63  }
0x3c: {  	p1 =	sne.s32 s30, $0x4800;
	_ =	swait.ge [sflag:s22], $0x3E80  }
0x3d: {  	[sflag:s22] =	ssyncset.done $0x0  }
0x3e: {  	s30 =	sadd.s32 $0x1400, s29;
	[sflag:s22] =	ssyncadd.s32 $0xFFFFC180  }
0x3f: {  	[spmem:s2] =	stream.indirect.scatter.add.f32 [tilespmem:s20], [sflag:$0x4], $0x80, s30, s19, $0xb8;
	[tilespmem:$0x1E080] =	vst v63  }
0x40: {  	_ =	swait.ge [sflag:s17], $0x3E80  }
0x41: {  	[sflag:s17] =	ssyncset.done $0x0  }
0x42: {  	s30 =	sadd.s32 $0x100, s29;
	[sflag:s17] =	ssyncadd.s32 $0xFFFFC180  }
0x43: {  	[tilespmem:s20], [sflag:$0x1] =	stream.indirect.gather [hbm4b:s1+s19], $0x80, s30, s19, $0xb8;
	[tilespmem:$0x1E080] =	vst v63  }
0x44: {  	_ =	swait.ge [sflag:s23], $0x3E80  }
.Ltmp0:
0x45: {  	[sflag:s23] =	ssyncset.done $0x0;
	(pc) =	sbr.rel @p1 .LBB2_2-.Ltmp0, $4  }
0x46: {  	s29 =	sadd.s32 $0x1480, s29;
	[sflag:s23] =	ssyncadd.s32 $0xFFFFC180  }
0x47: {  	[spmem:s2] =	stream.indirect.scatter.add.f32 [tilespmem:s21], [sflag:$0x4], $0x80, s29, s19, $0xb8;
	[tilespmem:$0x1E080] =	vst v63  }
0x48: {  	_ =	swait.ge [sflag:s17], $0x3E80  }
0x49: {  	s30 =	smov.u32 s4;
	s29 =	sshra.s32 s0, $0x2;
	[sflag:s17] =	ssyncset.done $0x0  }
0x4a: {  	s0 =	sadd.s32 $0x80, s29;
	[sflag:s17] =	ssyncadd.s32 $0xFFFFC180  }
0x4b: {  	[tilespmem:s21], [sflag:$0x2] =	stream.indirect.gather [hbm4b:s1+s19], $0x80, s0, s19, $0xb8;
	[tilespmem:$0x1E080] =	vst v63  }
0x4c: {  	_ =	swait.ge [sflag:s22], $0x3E80  }
0x4d: {  	[sflag:s22] =	ssyncset.done $0x0  }
0x4e: {  	s4 =	sadd.s32 $0x1400, s29;
	[sflag:s22] =	ssyncadd.s32 $0xFFFFC180  }
0x4f: {  	[spmem:s2] =	stream.indirect.scatter.add.f32 [tilespmem:s20], [sflag:$0x4], $0x80, s4, s19, $0xb8;
	[tilespmem:$0x1E080] =	vst v63  }
0x50: {  	_ =	swait.ge [sflag:s17], $0x3E80  }
0x51: {  	[sflag:s17] =	ssyncset.done $0x0  }
0x52: {  	s31 =	sadd.s32 $0x100, s29;
	[sflag:s17] =	ssyncadd.s32 $0xFFFFC180  }
0x53: {  	[tilespmem:s20], [sflag:$0x1] =	stream.indirect.gather [hbm4b:s1+s19], $0x80, s31, s19, $0xb8;
	[tilespmem:$0x1E080] =	vst v63  }
0x54: {  	_ =	swait.ge [sflag:s23], $0x3E80  }
0x55: {  	[sflag:s23] =	ssyncset.done $0x0  }
0x56: {  	s4 =	sadd.s32 $0x1480, s29;
	[sflag:s23] =	ssyncadd.s32 $0xFFFFC180  }
0x57: {  	[spmem:s2] =	stream.indirect.scatter.add.f32 [tilespmem:s21], [sflag:$0x4], $0x80, s4, s19, $0xb8;
	[tilespmem:$0x1E080] =	vst v63  }
0x58: {  	_ =	swait.ge [sflag:s17], $0x3E80  }
0x59: {  	[sflag:s17] =	ssyncset.done $0x0  }
0x5a: {  	[sflag:s17] =	ssyncadd.s32 $0xFFFFC180  }
0x5b: {  	[tilespmem:s21], [sflag:$0x2] =	stream.indirect.gather [hbm4b:s1+s19], $0x80, s24, s19, $0xb8;
	[tilespmem:$0x1E080] =	vst v63  }
0x5c: {  	_ =	swait.ge [sflag:s22], $0x3E80  }
0x5d: {  	[sflag:s22] =	ssyncset.done $0x0  }
0x5e: {  	[sflag:s22] =	ssyncadd.s32 $0xFFFFC180  }
0x5f: {  	[spmem:s2] =	stream.indirect.scatter.add.f32 [tilespmem:s20], [sflag:$0x4], $0x80, s25, s19, $0xb8;
	[tilespmem:$0x1E080] =	vst v63  }
0x60: {  	_ =	swait.ge [sflag:s17], $0x3E80  }
0x61: {  	[sflag:s17] =	ssyncset.done $0x0  }
0x62: {  	[sflag:s17] =	ssyncadd.s32 $0xFFFFC180  }
0x63: {  	_ =	swait.ge [sflag:s23], $0x3E80  }
0x64: {  	[sflag:s23] =	ssyncset.done $0x0  }
0x65: {  	[sflag:s23] =	ssyncadd.s32 $0xFFFFC180  }
0x66: {  	[spmem:s2] =	stream.indirect.scatter.add.f32 [tilespmem:s21], [sflag:$0x4], $0x80, s26, s19, $0xb8;
	[tilespmem:$0x1E080] =	vst v63  }
0x67: {  	_ =	swait.ge [sflag:s17], $0x3E80  }
0x68: {  	[sflag:s17] =	ssyncset.done $0x0  }
0x69: {  	s31 =	simm.s32 $0x0;
	[sflag:s17] =	ssyncadd.s32 $0xFFFFC180  }
0x6a: {  	[tilespmem:s31], [sflag:$0x4] =	stream.linear.gather [hbm4b:s8+s31], $0x1400, $0x38;
	[tilespmem:$0x1E080] =	vst v63  }
0x6b: {  	_ =	swait.ge [sflag:s17], $0x1400  }
0x6c: {  	[sflag:s17] =	ssyncset.done $0x0  }
0x6d: {  	[sflag:s17] =	ssyncadd.s32 $0xFFFFEC00  }
0x6e: {  	[tilespmem:s18], [sflag:$0x4] =	stream.linear.gather [hbm4b:s9+s31], $0x1400, $0x38;
	[tilespmem:$0x1E080] =	vst v63  }
0x6f: {  	_ =	swait.ge [sflag:s17], $0x1400  }
0x70: {  	[sflag:s17] =	ssyncset.done $0x0  }
0x71: {  	[sflag:s17] =	ssyncadd.s32 $0xFFFFEC00  }
0x72: {  	[tilespmem:s20], [sflag:$0x1] =	stream.indirect.gather [hbm4b:s1+s19], $0x80, s31, s19, $0xb8;
	[tilespmem:$0x1E080] =	vst v63  }
0x73: {  	s4 =	simm.s32 $0x80  }
0x74: {  	[tilespmem:s21], [sflag:$0x2] =	stream.indirect.gather [hbm4b:s1+s19], $0x80, s4, s19, $0xb8;
	[tilespmem:$0x1E080] =	vst v63  }
0x75: {  	_ =	swait.ge [sflag:s22], $0x3E80  }
0x76: {  	[sflag:s22] =	ssyncset.done $0x0  }
0x77: {  	s31 =	simm.s32 $0x1400;
	[sflag:s22] =	ssyncadd.s32 $0xFFFFC180  }
0x78: {  	[spmem:s2] =	stream.indirect.scatter.add.f32 [tilespmem:s20], [sflag:$0x4], $0x80, s31, s19, $0xb8;
	[tilespmem:$0x1E080] =	vst v63  }
0x79: {  	_ =	swait.ge [sflag:s17], $0x3E80  }
0x7a: {  	[sflag:s17] =	ssyncset.done $0x0  }
0x7b: {  	s4 =	simm.s32 $0x100;
	[sflag:s17] =	ssyncadd.s32 $0xFFFFC180  }
0x7c: {  	[tilespmem:s20], [sflag:$0x1] =	stream.indirect.gather [hbm4b:s1+s19], $0x80, s4, s19, $0xb8;
	[tilespmem:$0x1E080] =	vst v63  }
0x7d: {  	_ =	swait.ge [sflag:s23], $0x3E80  }
0x7e: {  	[sflag:s23] =	ssyncset.done $0x0  }
0x7f: {  	s31 =	simm.s32 $0x1480;
	[sflag:s23] =	ssyncadd.s32 $0xFFFFC180  }
0x80: {  	[spmem:s2] =	stream.indirect.scatter.add.f32 [tilespmem:s21], [sflag:$0x4], $0x80, s31, s19, $0xb8;
	[tilespmem:$0x1E080] =	vst v63  }
0x81: {  	_ =	swait.ge [sflag:s17], $0x3E80  }
0x82: {  	s30 =	simm.s32 $0x800;
	s29 =	simm.s32 $0x100;
	[sflag:s17] =	ssyncset.done $0x0  }
.LBB2_4:
0x83: {  	s0 =	sadd.s32 $0x80, s29  }
0x84: {  	[sflag:s17] =	ssyncadd.s32 $0xFFFFC180;
	s4 =	smov.u32 s30;
	s31 =	sadd.s32 $0x400, s30  }
0x85: {  	[tilespmem:s21], [sflag:$0x2] =	stream.indirect.gather [hbm4b:s1+s19], $0x80, s0, s19, $0xb8;
	[tilespmem:$0x1E080] =	vst v63  }
0x86: {  	p1 =	sne.s32 s30, $0x4800;
	_ =	swait.ge [sflag:s22], $0x3E80  }
0x87: {  	[sflag:s22] =	ssyncset.done $0x0  }
0x88: {  	s0 =	sadd.s32 $0x1400, s29;
	[sflag:s22] =	ssyncadd.s32 $0xFFFFC180  }
0x89: {  	[spmem:s2] =	stream.indirect.scatter.add.f32 [tilespmem:s20], [sflag:$0x4], $0x80, s0, s19, $0xb8;
	[tilespmem:$0x1E080] =	vst v63  }
0x8a: {  	_ =	swait.ge [sflag:s17], $0x3E80  }
0x8b: {  	[sflag:s17] =	ssyncset.done $0x0  }
0x8c: {  	s0 =	sadd.s32 $0x100, s29;
	[sflag:s17] =	ssyncadd.s32 $0xFFFFC180  }
0x8d: {  	[tilespmem:s20], [sflag:$0x1] =	stream.indirect.gather [hbm4b:s1+s19], $0x80, s0, s19, $0xb8;
	[tilespmem:$0x1E080] =	vst v63  }
0x8e: {  	_ =	swait.ge [sflag:s23], $0x3E80  }
.Ltmp1:
0x8f: {  	[sflag:s23] =	ssyncset.done $0x0;
	(pc) =	sbr.rel @p1 .LBB2_4-.Ltmp1, $4  }
0x90: {  	s0 =	sadd.s32 $0x1480, s29;
	[sflag:s23] =	ssyncadd.s32 $0xFFFFC180  }
0x91: {  	[spmem:s2] =	stream.indirect.scatter.add.f32 [tilespmem:s21], [sflag:$0x4], $0x80, s0, s19, $0xb8;
	[tilespmem:$0x1E080] =	vst v63  }
0x92: {  	_ =	swait.ge [sflag:s17], $0x3E80  }
0x93: {  	s30 =	smov.u32 s31;
	s29 =	sshra.s32 s4, $0x2;
	[sflag:s17] =	ssyncset.done $0x0  }
0x94: {  	s0 =	sadd.s32 $0x80, s29;
	[sflag:s17] =	ssyncadd.s32 $0xFFFFC180  }
0x95: {  	[tilespmem:s21], [sflag:$0x2] =	stream.indirect.gather [hbm4b:s1+s19], $0x80, s0, s19, $0xb8;
	[tilespmem:$0x1E080] =	vst v63  }
0x96: {  	_ =	swait.ge [sflag:s22], $0x3E80  }
0x97: {  	[sflag:s22] =	ssyncset.done $0x0  }
0x98: {  	s4 =	sadd.s32 $0x1400, s29;
	[sflag:s22] =	ssyncadd.s32 $0xFFFFC180  }
0x99: {  	[spmem:s2] =	stream.indirect.scatter.add.f32 [tilespmem:s20], [sflag:$0x4], $0x80, s4, s19, $0xb8;
	[tilespmem:$0x1E080] =	vst v63  }
0x9a: {  	_ =	swait.ge [sflag:s17], $0x3E80  }
0x9b: {  	[sflag:s17] =	ssyncset.done $0x0  }
0x9c: {  	s30 =	sadd.s32 $0x100, s29;
	[sflag:s17] =	ssyncadd.s32 $0xFFFFC180  }
0x9d: {  	[tilespmem:s20], [sflag:$0x1] =	stream.indirect.gather [hbm4b:s1+s19], $0x80, s30, s19, $0xb8;
	[tilespmem:$0x1E080] =	vst v63  }
0x9e: {  	_ =	swait.ge [sflag:s23], $0x3E80  }
0x9f: {  	[sflag:s23] =	ssyncset.done $0x0  }
0xa0: {  	s31 =	sadd.s32 $0x1480, s29;
	[sflag:s23] =	ssyncadd.s32 $0xFFFFC180  }
0xa1: {  	[spmem:s2] =	stream.indirect.scatter.add.f32 [tilespmem:s21], [sflag:$0x4], $0x80, s31, s19, $0xb8;
	[tilespmem:$0x1E080] =	vst v63  }
0xa2: {  	_ =	swait.ge [sflag:s17], $0x3E80  }
0xa3: {  	[sflag:s17] =	ssyncset.done $0x0  }
0xa4: {  	[sflag:s17] =	ssyncadd.s32 $0xFFFFC180  }
0xa5: {  	[tilespmem:s21], [sflag:$0x2] =	stream.indirect.gather [hbm4b:s1+s19], $0x80, s24, s19, $0xb8;
	[tilespmem:$0x1E080] =	vst v63  }
0xa6: {  	_ =	swait.ge [sflag:s22], $0x3E80  }
0xa7: {  	[sflag:s22] =	ssyncset.done $0x0  }
0xa8: {  	[sflag:s22] =	ssyncadd.s32 $0xFFFFC180  }
0xa9: {  	[spmem:s2] =	stream.indirect.scatter.add.f32 [tilespmem:s20], [sflag:$0x4], $0x80, s25, s19, $0xb8;
	[tilespmem:$0x1E080] =	vst v63  }
0xaa: {  	_ =	swait.ge [sflag:s17], $0x3E80  }
0xab: {  	[sflag:s17] =	ssyncset.done $0x0  }
0xac: {  	[sflag:s17] =	ssyncadd.s32 $0xFFFFC180  }
0xad: {  	_ =	swait.ge [sflag:s23], $0x3E80  }
0xae: {  	[sflag:s23] =	ssyncset.done $0x0  }
0xaf: {  	[sflag:s23] =	ssyncadd.s32 $0xFFFFC180  }
0xb0: {  	[spmem:s2] =	stream.indirect.scatter.add.f32 [tilespmem:s21], [sflag:$0x4], $0x80, s26, s19, $0xb8;
	[tilespmem:$0x1E080] =	vst v63  }
0xb1: {  	_ =	swait.ge [sflag:s17], $0x3E80  }
0xb2: {  	[sflag:s17] =	ssyncset.done $0x0  }
0xb3: {  	[sflag:s17] =	ssyncadd.s32 $0xFFFFC180  }
0xb4: {  	s0 =	simm.s32 @p0 $0x1FC4;
	[bflag:$0x0] =	sbarrier.arrive $0xFFFF  }
0xb5: {  	[hbm:s11], [sflag:s0] =	dma.local @p0 [spmem:s14], $0x2080  }
0xb6: {  	s0 =	simm.s32 @p0 $0x4  }
0xb7: {  	_ =	swait.ge @p0 [sflag:s0], $0x2080  }
0xb8: {  	s28 =	sadd.s32 $0x1, s28;
	[sflag:s0] =	ssyncset.done @p0 $0x0  }
0xb9: {  	p1 =	sne.s32 s28, s13;
	[sflag:s0] =	ssyncadd.s32 @p0 $0xFFFFDF80;
	s0 =	sor.u32 @!p0 $0x1C04, s12  }
0xba: {  	[hbm:s10], [sflag:s0] =	dma.local @!p0 [spmem:s16], $0x2780  }
.Ltmp2:
0xbb: {  	_ = 	snop;
	(pc) =	sbr.rel @p1 .LBB2_1-.Ltmp2, $4  }
0xbc: {  	s0 =	simm.s32 @!p0 $0x4  }
0xbd: {  	_ =	swait.ge @!p0 [sflag:s0], $0x2780  }
0xbe: {  	[sflag:s0] =	ssyncset.done @!p0 $0x0  }
0xbf: {  	[sflag:s0] =	ssyncadd.s32 @!p0 $0xFFFFD880  }
0xc0: {  	_ =	sfence.sel $0x180000  }
0xc1: {  	[bflag:$0x0] =	sbarrier.arrive $0xFFFF  }
0xc2: {  	_ =	strace $0x90000047  }
0xc3: {  	s0 =	stileid.u32;
	[bflag:$0x2] =	sbarrier.arrive $0xFFFF  }
0xc4: {  	p0 =	sne.s32 s0, $0x0;
	s0 =	rddreg [dreg:$0x3]  }
0xc5: {  	s0 =	sadd.s32 @!p0 $0x100000, s0  }
0xc6: {  	[sflag:s0] =	ssyncadd.tile.s32 @!p0 $0x1;
	_ =	shalt  }
.Lfunc_end2:
_tile_overlayer_lowered:
.L_overlay_start_2:
0xc7: {  	(tag) =	ssettag $0x2  }
0xc8: {  	s0 =	rddreg [dreg:$0x0];
	s2 =	stileid.u32  }
0xc9: {  	s1 =	rddreg [dreg:$0x1];
	p0 =	sne.s32 s2, $0x0  }
0xca: {  	s3 =	rddreg [dreg:$0x2];
	[bflag:$0x3] =	sbarrier.arrive $0xFFFF;
	s2 =	simm.s32 @!p0 $0x1C04  }
0xcb: {  	[timem:s3], [sflag:s2] =	dma.local @!p0 [hbm:s0], s1  }
0xcc: {  	s0 =	simm.s32 @!p0 $0x4  }
0xcd: {  	_ =	swait.ge @!p0 [sflag:s0], s1  }
0xce: {  	s1 =	ssub.s32 @!p0 $0x0, s1;
	[sflag:s0] =	ssyncset.done @!p0 $0x0  }
0xcf: {  	[sflag:s0] =	ssyncadd.s32 @!p0 s1  }
0xd0: {  	[bflag:$0x3] =	sbarrier.arrive $0xFFFF  }
0xd1: {  	_ =	shalt  }

// kernel: kernel.9.cloned.1.call-start
scs
__scs_entry_jumppad:
0x0: {  	(pc) =	sbr.rel $0x88, $3  }
0x1: {  	(tag) =	ssettag $0x0;
	lr =	simm.s32 $0x1  }
0x2: {  	[smem:$0x3F9B] =	sst lr;
	_ =	strace $0xD0000000  }
0x3: {  	_ = 	snop  }
0x4: {  	_ = 	snop  }
0x5: {  	_ = 	snop  }
0x6: {  	_ = 	snop  }
0x7: {  	_ = 	snop  }
__scs_overlays_trampoline_lowered:
0x8: {  	[smem:$0x3FAA] =	sst s0  }
0x9: {  	[smem:$0x3FAB] =	sst s1  }
0xa: {  	[smem:$0x3FAC] =	sst s2  }
0xb: {  	[smem:$0x3FAD] =	sst s3  }
0xc: {  	[smem:$0x3FAE] =	sst s4  }
0xd: {  	[smem:$0x3FAF] =	sst s5  }
0xe: {  	[smem:$0x3FB0] =	sst s6  }
0xf: {  	[smem:$0x3FB1] =	sst s7  }
0x10: {  	[smem:$0x3FB2] =	sst s8  }
0x11: {  	[smem:$0x3FB3] =	sst s9;
	s0 =	simm.s32 @!p0 $0x0  }
0x12: {  	s1 =	sld [smem:$0x3F99];
	s0 =	simm.s32 @p0 $0x1  }
0x13: {  	[smem:$0x3FB4] =	sst s0;
	s0 =	simm.s32 @!p1 $0x0  }
0x14: {  	s2 =	sld [smem:$0x3F98];
	s0 =	simm.s32 @p1 $0x1  }
0x15: {  	[smem:$0x3FB5] =	sst s0;
	s0 =	simm.s32 @!p2 $0x0  }
0x16: {  	s3 =	sld [smem:$0x3FDB];
	s0 =	simm.s32 @p2 $0x1  }
0x17: {  	s4 =	simm.s32 $0x1BF5;
	[smem:$0x3FB7] =	sst s0  }
0x18: {  	s0 =	sld [smem:$0x3F9A];
	_ =	swait.ge [sflag:s4], $0x0  }
0x19: {  	s7 =	sld [smem:$0x3F9B]  }
0x1a: {  	s8 =	sadd.s32 $0xFFFFE003, lr  }
0x1b: {  	s9 =	sadd.s32 $0xFFFFFEF7, lr;
	s5 =	simm.s32 $0xFFFFFFFF;
	p2 =	slt.u32 s8, $0xFFFFF086  }
0x1c: {  	p1 =	slt.u32 s9, $0xF7A;
	s5 =	simm.s32 @!p2 $0x0  }
0x1d: {  	s5 =	simm.s32 @p1 $0x1;
	p0 =	seq.s32 s7, s2  }
0x1e: {  	s7 =	smul.u32 @!p0 $0xF7A, s2;
	p2 =	seq.s32 @!p0 s5, $0x0  }
0x1f: {  	s9 =	smul.u32 $0xF7A, s1;
	s8 =	simm.s32 @!p0 $0x1BF5;
	p2 =	por !p2, p0  }
0x20: {  	[sflag:s8] =	ssyncset.s32 @!p0 $0xFFFFF086;
	s6 =	sadd.s32 @!p0 s3, s7;
	s7 =	simm.s32 @!p0 $0x108  }
0x21: {  	s3 =	sadd.s32 s3, s9;
	s6 =	sadd.s32 @!p0 $0x88, s6;
	s7 =	simm.s32 @p2 $0x1082  }
0x22: {  	[simem:s7], [sflag:s8] =	dma.local @!p0 [hbm:s6], $0xF7A  }
0x23: {  	s9 =	sor.u32 $0xD0000000, s2;
	s6 =	simm.s32 $0x108;
	_ =	swait.ge @!p0 [sflag:s8], $0x0  }
0x24: {  	s3 =	sadd.s32 $0x88, s3;
	s6 =	simm.s32 @!p1 $0x1082;
	[sflag:s4] =	ssyncset.s32 $0xFFFFF086  }
0x25: {  	[simem:s6], [sflag:s4] =	dma.local [hbm:s3], $0xF7A  }
0x26: {  	[smem:$0x3F9B] =	sst s1;
	(tag) =	ssettag s2;
	_ =	strace s9  }
0x27: {  	s1 =	sld [smem:$0x3FAB]  }
0x28: {  	s2 =	sld [smem:$0x3FAC]  }
0x29: {  	s4 =	sld [smem:$0x3FAE]  }
0x2a: {  	p0 =	seq.s32 s5, $0x0;
	s5 =	sld [smem:$0x3FAF]  }
0x2b: {  	s6 =	sld [smem:$0x3FB0]  }
0x2c: {  	s7 =	sld [smem:$0x3FB1]  }
0x2d: {  	s3 =	simm.s32 $0x108;
	s8 =	sld [smem:$0x3FB2]  }
0x2e: {  	s3 =	simm.s32 @!p0 $0x1082;
	s9 =	sld [smem:$0x3FB3]  }
0x2f: {  	lr =	sadd.s32 s0, s3;
	s0 =	sld [smem:$0x3FAA]  }
0x30: {  	s3 =	sld [smem:$0x3FAD]  }
0x31: {  	[smem:$0x3FB6] =	sst s10  }
0x32: {  	s10 =	sld [smem:$0x3FB4];
	_ =	sdelay $0x3  }
0x33: {  	p0 =	seq.s32 s10, $0x1;
	s10 =	sld [smem:$0x3FB6];
	_ =	sdelay $0x3  }
0x34: {  	[smem:$0x3FB6] =	sst s10  }
0x35: {  	s10 =	sld [smem:$0x3FB5];
	_ =	sdelay $0x3  }
0x36: {  	p1 =	seq.s32 s10, $0x1;
	s10 =	sld [smem:$0x3FB6];
	_ =	sdelay $0x3  }
0x37: {  	[smem:$0x3FB6] =	sst s10  }
0x38: {  	s10 =	sld [smem:$0x3FB7]  }
0x39: {  	_ = 	snop;
	(pc) =	sbr.ind lr, $3  }
0x3a: {  	_ = 	snop  }
0x3b: {  	_ = 	snop  }
0x3c: {  	p2 =	seq.s32 s10, $0x1;
	s10 =	sld [smem:$0x3FB6]  }
0x3d: {  	_ =	shalt  }
0x3e: {  	_ =	shalt  }
0x3f: {  	_ =	shalt  }
0x40: {  	_ =	shalt  }
0x41: {  	_ =	shalt  }
0x42: {  	_ =	shalt  }
0x43: {  	_ =	shalt  }
0x44: {  	_ =	shalt  }
0x45: {  	_ =	shalt  }
0x46: {  	_ =	shalt  }
0x47: {  	_ =	shalt  }
0x48: {  	_ =	shalt  }
0x49: {  	_ =	shalt  }
0x4a: {  	_ =	shalt  }
0x4b: {  	_ =	shalt  }
0x4c: {  	_ =	shalt  }
0x4d: {  	_ =	shalt  }
0x4e: {  	_ =	shalt  }
0x4f: {  	_ =	shalt  }
0x50: {  	_ =	shalt  }
0x51: {  	_ =	shalt  }
0x52: {  	_ =	shalt  }
0x53: {  	_ =	shalt  }
0x54: {  	_ =	shalt  }
0x55: {  	_ =	shalt  }
0x56: {  	_ =	shalt  }
0x57: {  	_ =	shalt  }
0x58: {  	_ =	shalt  }
0x59: {  	_ =	shalt  }
0x5a: {  	_ =	shalt  }
0x5b: {  	_ =	shalt  }
0x5c: {  	_ =	shalt  }
0x5d: {  	_ =	shalt  }
0x5e: {  	_ =	shalt  }
0x5f: {  	_ =	shalt  }
0x60: {  	_ =	shalt  }
0x61: {  	_ =	shalt  }
0x62: {  	_ =	shalt  }
0x63: {  	_ =	shalt  }
0x64: {  	_ =	shalt  }
0x65: {  	_ =	shalt  }
0x66: {  	_ =	shalt  }
0x67: {  	_ =	shalt  }
0x68: {  	_ =	shalt  }
0x69: {  	_ =	shalt  }
0x6a: {  	_ =	shalt  }
0x6b: {  	_ =	shalt  }
0x6c: {  	_ =	shalt  }
0x6d: {  	_ =	shalt  }
0x6e: {  	_ =	shalt  }
0x6f: {  	_ =	shalt  }
0x70: {  	_ =	shalt  }
0x71: {  	_ =	shalt  }
0x72: {  	_ =	shalt  }
0x73: {  	_ =	shalt  }
0x74: {  	_ =	shalt  }
0x75: {  	_ =	shalt  }
0x76: {  	_ =	shalt  }
0x77: {  	_ =	shalt  }
0x78: {  	_ =	shalt  }
0x79: {  	_ =	shalt  }
0x7a: {  	_ =	shalt  }
0x7b: {  	_ =	shalt  }
0x7c: {  	_ =	shalt  }
0x7d: {  	_ =	shalt  }
0x7e: {  	_ =	shalt  }
0x7f: {  	_ =	shalt  }
0x80: {  	_ =	shalt  }
0x81: {  	_ =	shalt  }
0x82: {  	_ =	shalt  }
0x83: {  	_ =	shalt  }
0x84: {  	_ =	shalt  }
0x85: {  	_ =	shalt  }
0x86: {  	_ =	shalt  }
0x87: {  	_ =	shalt  }
.Lfunc_end0:
.L_simem_size_0:
called_computation.1_lowered:
.L_overlay_start_0:
0x88: {  	s2 =	sld [smem:$0x3FD9]  }
0x89: {  	s3 =	sld [smem:$0x3FFE];
	_ =	sdelay $0x1  }
0x8a: {  	s1 =	srdreg.scid  }
0x8b: {  	s0 =	sand.u32 $0x1, s1  }
0x8c: {  	s17 =	sshll.u32 s0, $0xA;
	s2 =	sadd.s32 s3, s2  }
0x8d: {  	s2 =	sadd.s32 s2, s17  }
0x8e: {  	[smem:$0x3FC2] =	sst s2  }
0x8f: {  	_ = 	snop  }
0x90: {  	s2 =	sld [smem:$0x3FD0];
	(tm) =	ssettm $0x1  }
0x91: {  	s18 =	sld [smem:$0x3FFB];
	_ =	sdelay $0x3  }
0x92: {  	_ =	strace s18  }
0x93: {  	s3 =	sld [smem:$0x3FFC];
	_ =	sdelay $0x3  }
0x94: {  	_ =	strace s3  }
0x95: {  	s3 =	sld [smem:$0x3FFD];
	_ =	sdelay $0x3  }
0x96: {  	_ =	strace s3  }
0x97: {  	_ =	strace $0x8FFFFFFF  }
0x98: {  	s19 =	sld [smem:$0x3FDB];
	_ =	sdelay $0x1  }
0x99: {  	s4 =	simm.s32 $_scs_section_size  }
0x9a: {  	s5 =	simm.s32 $_size__tile_overlayer_lowered;
	s6 =	simm.s32 $_tile_overlayer_lowered  }
0x9b: {  	s22 =	simm.s32 $0x1BFF;
	s21 =	sshll.u32 s6, $0x1;
	s3 =	sadd.s32 s4, s19  }
0x9c: {  	s7 =	simm.s32 $0x0;
	s20 =	sshll.u32 s5, $0x1;
	s5 =	sadd.s32 s21, s3  }
0x9d: {  	[timem:s7], [sflag:s22] =	dma.local [hbm:s5], s20  }
0x9e: {  	_ =	swait.ge [sflag:s22], s20  }
0x9f: {  	s4 =	ssub.s32 $0x0, s20;
	[sflag:s22] =	ssyncset.done $0x0  }
0xa0: {  	[sflag:s22] =	ssyncadd.s32 s4;
	_ =	sdelay $0x1  }
0xa1: {  	s23 =	simm.s32 $0x1B8B  }
0xa2: {  	_ =	swait.ge [sflag:s23], $0x1  }
0xa3: {  	[sflag:s23] =	ssyncset.done $0x0  }
0xa4: {  	s25 =	simm.s32 $0x1B8E;
	s24 =	sld [smem:$0x3FFE];
	[sflag:s23] =	ssyncadd.s32 $0xFFFFFFFF  }
0xa5: {  	s26 =	simm.s32 $execute0_lowered;
	[smem:$0x3FD2] =	sst s25  }
0xa6: {  	s5 =	sshll.u32 s26, $0x1;
	_ =	strace $0x80000049;
	[dreg:$0x1] =	wrdreg $0xFFFFFFFF  }
0xa7: {  	s28 =	simm.s32 $_size_execute0_lowered;
	s3 =	sadd.s32 s3, s5;
	[dreg:$0x0] =	wrdreg $0x0  }
0xa8: {  	s5 =	sshll.u32 s28, $0x1;
	[dreg:$0x2] =	wrdreg s3  }
0xa9: {  	[dreg:$0x3] =	wrdreg s5  }
0xaa: {  	[dreg:$0x4] =	wrdreg $0xC0  }
0xab: {  	_ =	task [dreg:s7], $0x5FFFF  }
0xac: {  	[dreg:$0x1] =	wrdreg $0xFFFFFFFF  }
0xad: {  	[dreg:$0x0] =	wrdreg $0x60  }
0xae: {  	[dreg:$0x2] =	wrdreg s24  }
0xaf: {  	[dreg:$0x3] =	wrdreg s2  }
0xb0: {  	[dreg:$0x4] =	wrdreg $0xA8000  }
0xb1: {  	[dreg:$0x5] =	wrdreg $0x9  }
0xb2: {  	_ =	task.clear_ibuf [dreg:s7], $0x6FFFF;
	_ =	strace $0x90000049  }
0xb3: {  	s29 =	simm.s32 $0x9;
	_ =	strace $0x8000004B  }
0xb4: {  	_ =	swait.ge [sflag:s29], $0x1  }
0xb5: {  	[sflag:s29] =	ssyncadd.s32 $0xFFFFFFFF  }
0xb6: {  	_ =	strace $0x9000004B  }
0xb7: {  	_ =	sfence  }
0xb8: {  	s30 =	sld [smem:$0x0];
	_ =	sdelay $0x2  }
0xb9: {  	s31 =	sshll.u32 s1, $0xD;
	s1 =	sshrl.u32 s1, $0x2  }
0xba: {  	s3 =	sand.u32 $0x4000, s31;
	s1 =	sadd.s32 s1, s30  }
0xbb: {  	s0 =	sor.u32 s3, s0;
	s1 =	sshll.u32 s1, $0x11  }
0xbc: {  	s0 =	sor.u32 s1, s0  }
0xbd: {  	s0 =	sadd.s32 $0x8F2B, s0  }
0xbe: {  	[sflag:s0] =	ssyncadd.remote.s32 $0x1  }
0xbf: {  	_ =	sfence.sel $0xFFFF  }
0xc0: {  	[dreg:$0x0] =	wrdreg $0xFFFFFFFF;
	(pc) =	sbr.abs _section_cstart, $3  }
0xc1: {  	[dreg:$0x1] =	wrdreg $0xFFFFFFFF  }
0xc2: {  	_ =	task.clear_ibuf [dreg:s7], $0x2FFFF;
	_ =	strace $0x9FFFFFFF  }
0xc3: {  	(tm) =	ssettm $0x7FFFFFFF  }
tec
execute0_lowered:
.L_overlay_start_1:
0x0: {  	(tag) =	ssettag $0x1  }
0x1: {  	s6 =	rddreg [dreg:$0x0]  }
0x2: {  	s1 =	rddreg [dreg:$0x1]  }
0x3: {  	s2 =	rddreg [dreg:$0x2]  }
0x4: {  	s3 =	simm.s32 $0x0;
	s4 =	srdreg.scid;
	s0 =	stileid.u32  }
0x5: {  	s18 =	simm.s32 $0x1400;
	s19 =	simm.s32 $0x7D;
	s20 =	simm.s32 $0x2800  }
0x6: {  	s21 =	simm.s32 $0x6800;
	s22 =	simm.s32 $0x1;
	s23 =	simm.s32 $0x2  }
0x7: {  	s24 =	simm.s32 $0x1380;
	s28 =	simm.s32 $0x0;
	[smem:$0x7FF] =	sst s3  }
0x8: {  	s8 =	sadd.s32 $0xAE00, s6;
	s7 =	sand.u32 $0x1, s4;
	s9 =	sadd.s32 $0xE00, s6  }
0x9: {  	s12 =	smul.u32 $0x4F000, s0;
	s14 =	sadd.s32 $0x17600, s6;
	s15 =	sadd.s32 $0x128400, s2  }
0xa: {  	s17 =	smul.u32 $0x2780, s0;
	p0 =	seq.s32 s0, $0xF;
	_ =	strace $0x8000004A  }
0xb: {  	s5 =	sshll.u32 s7, $0x4;
	s10 =	ssub.s32 $0x2, s7;
	s29 =	smul.u32 $0x27100, s7  }
0xc: {  	s30 =	smul.u32 $0x138800, s7;
	s11 =	sor.u32 s0, s5;
	s5 =	sadd.s32 $0x14E00, s6  }
0xd: {  	s13 =	sshrl.u32 s10, $0x1;
	s25 =	sshrl.u32 s12, $0x2;
	s11 =	smul.u32 $0x2800, s11  }
0xe: {  	s13 =	ssub.s32 s10, s13;
	s16 =	sadd.s32 s25, s2;
	s31 =	sshrl.u32 s30, $0x3  }
0xf: {  	s25 =	simm.s32 $0x2700;
	s12 =	sadd.s32 s14, s31;
	s13 =	smax.u32 s13, $0x1  }
0x10: {  	s16 =	sshrl.u32 @!p0 s16, $0x3;
	s26 =	sshrl.u32 s11, $0x3;
	s11 =	sadd.s32 s17, s29  }
0x11: {  	s17 =	simm.s32 $0x4;
	s6 =	sadd.s32 s8, s26;
	s10 =	sadd.s32 $0x280, s26  }
0x12: {  	s7 =	sadd.s32 s9, s26;
	s8 =	sadd.s32 s8, s10;
	s9 =	sadd.s32 s9, s10  }
0x13: {  	s10 =	sadd.s32 s14, s11;
	s11 =	sadd.s32 $0x25080, s12;
	s12 =	sshll.u32 @!p0 s0, $0x6  }
0x14: {  	s26 =	simm.s32 $0x2780;
	s14 =	sshrl.u32 @p0 s15, $0x3;
	s15 =	sor.u32 @!p0 $0x1C03, s12  }
.LBB2_1:
0x15: {  	s29 =	simm.s32 @p0 $0x1FC3  }
0x16: {  	[spmem:s14], [sflag:s29] =	dma.local @p0 [hbm:s5], $0x2080  }
0x17: {  	s29 =	simm.s32 @p0 $0x3  }
0x18: {  	_ =	swait.ge @p0 [sflag:s29], $0x2080  }
0x19: {  	[sflag:s29] =	ssyncset.done @p0 $0x0  }
0x1a: {  	[sflag:s29] =	ssyncadd.s32 @p0 $0xFFFFDF80;
	s29 =	simm.s32 @!p0 $0x3  }
0x1b: {  	[spmem:s16], [sflag:s15] =	dma.local @!p0 [hbm:s5], $0x2780  }
0x1c: {  	_ =	swait.ge @!p0 [sflag:s29], $0x2780  }
0x1d: {  	[sflag:s29] =	ssyncset.done @!p0 $0x0  }
0x1e: {  	[sflag:s29] =	ssyncadd.s32 @!p0 $0xFFFFD880  }
0x1f: {  	[bflag:$0x0] =	sbarrier.arrive $0xFFFF  }
0x20: {  	[tilespmem:s3], [sflag:$0x4] =	stream.linear.gather [hbm4b:s6+s3], $0x1400, $0x38;
	[tilespmem:$0x1E080] =	vst v63  }
0x21: {  	_ =	swait.ge [sflag:s17], $0x1400  }
0x22: {  	[sflag:s17] =	ssyncset.done $0x0  }
0x23: {  	[sflag:s17] =	ssyncadd.s32 $0xFFFFEC00  }
0x24: {  	[tilespmem:s18], [sflag:$0x4] =	stream.linear.gather [hbm4b:s7+s3], $0x1400, $0x38;
	[tilespmem:$0x1E080] =	vst v63  }
0x25: {  	_ =	swait.ge [sflag:s17], $0x1400  }
0x26: {  	[sflag:s17] =	ssyncset.done $0x0  }
0x27: {  	[sflag:s17] =	ssyncadd.s32 $0xFFFFEC00  }
0x28: {  	[tilespmem:s20], [sflag:$0x1] =	stream.indirect.gather [hbm4b:s1+s19], $0x80, s3, s19, $0xb8;
	[tilespmem:$0x1E080] =	vst v63  }
0x29: {  	s29 =	simm.s32 $0x80  }
0x2a: {  	[tilespmem:s21], [sflag:$0x2] =	stream.indirect.gather [hbm4b:s1+s19], $0x80, s29, s19, $0xb8;
	[tilespmem:$0x1E080] =	vst v63  }
0x2b: {  	_ =	swait.ge [sflag:s22], $0x3E80  }
0x2c: {  	[sflag:s22] =	ssyncset.done $0x0  }
0x2d: {  	s29 =	simm.s32 $0x1400;
	[sflag:s22] =	ssyncadd.s32 $0xFFFFC180  }
0x2e: {  	[spmem:s2] =	stream.indirect.scatter.add.f32 [tilespmem:s20], [sflag:$0x4], $0x80, s29, s19, $0xb8;
	[tilespmem:$0x1E080] =	vst v63  }
0x2f: {  	_ =	swait.ge [sflag:s17], $0x3E80  }
0x30: {  	[sflag:s17] =	ssyncset.done $0x0  }
0x31: {  	s29 =	simm.s32 $0x100;
	[sflag:s17] =	ssyncadd.s32 $0xFFFFC180  }
0x32: {  	[tilespmem:s20], [sflag:$0x1] =	stream.indirect.gather [hbm4b:s1+s19], $0x80, s29, s19, $0xb8;
	[tilespmem:$0x1E080] =	vst v63  }
0x33: {  	_ =	swait.ge [sflag:s23], $0x3E80  }
0x34: {  	[sflag:s23] =	ssyncset.done $0x0  }
0x35: {  	s29 =	simm.s32 $0x1480;
	[sflag:s23] =	ssyncadd.s32 $0xFFFFC180  }
0x36: {  	[spmem:s2] =	stream.indirect.scatter.add.f32 [tilespmem:s21], [sflag:$0x4], $0x80, s29, s19, $0xb8;
	[tilespmem:$0x1E080] =	vst v63  }
0x37: {  	_ =	swait.ge [sflag:s17], $0x3E80  }
0x38: {  	s30 =	simm.s32 $0x800;
	s29 =	simm.s32 $0x100;
	[sflag:s17] =	ssyncset.done $0x0  }
.LBB2_2:
0x39: {  	s31 =	sadd.s32 $0x80, s29  }
0x3a: {  	[sflag:s17] =	ssyncadd.s32 $0xFFFFC180;
	s0 =	smov.u32 s30;
	s4 =	sadd.s32 $0x400, s30  }
0x3b: {  	[tilespmem:s21], [sflag:$0x2] =	stream.indirect.gather [hbm4b:s1+s19], $0x80, s31, s19, $0xb8;
	[tilespmem:$0x1E080] =	vst v63  }
0x3c: {  	p1 =	sne.s32 s30, $0x4800;
	_ =	swait.ge [sflag:s22], $0x3E80  }
0x3d: {  	[sflag:s22] =	ssyncset.done $0x0  }
0x3e: {  	s30 =	sadd.s32 $0x1400, s29;
	[sflag:s22] =	ssyncadd.s32 $0xFFFFC180  }
0x3f: {  	[spmem:s2] =	stream.indirect.scatter.add.f32 [tilespmem:s20], [sflag:$0x4], $0x80, s30, s19, $0xb8;
	[tilespmem:$0x1E080] =	vst v63  }
0x40: {  	_ =	swait.ge [sflag:s17], $0x3E80  }
0x41: {  	[sflag:s17] =	ssyncset.done $0x0  }
0x42: {  	s30 =	sadd.s32 $0x100, s29;
	[sflag:s17] =	ssyncadd.s32 $0xFFFFC180  }
0x43: {  	[tilespmem:s20], [sflag:$0x1] =	stream.indirect.gather [hbm4b:s1+s19], $0x80, s30, s19, $0xb8;
	[tilespmem:$0x1E080] =	vst v63  }
0x44: {  	_ =	swait.ge [sflag:s23], $0x3E80  }
.Ltmp0:
0x45: {  	[sflag:s23] =	ssyncset.done $0x0;
	(pc) =	sbr.rel @p1 .LBB2_2-.Ltmp0, $4  }
0x46: {  	s29 =	sadd.s32 $0x1480, s29;
	[sflag:s23] =	ssyncadd.s32 $0xFFFFC180  }
0x47: {  	[spmem:s2] =	stream.indirect.scatter.add.f32 [tilespmem:s21], [sflag:$0x4], $0x80, s29, s19, $0xb8;
	[tilespmem:$0x1E080] =	vst v63  }
0x48: {  	_ =	swait.ge [sflag:s17], $0x3E80  }
0x49: {  	s30 =	smov.u32 s4;
	s29 =	sshra.s32 s0, $0x2;
	[sflag:s17] =	ssyncset.done $0x0  }
0x4a: {  	s0 =	sadd.s32 $0x80, s29;
	[sflag:s17] =	ssyncadd.s32 $0xFFFFC180  }
0x4b: {  	[tilespmem:s21], [sflag:$0x2] =	stream.indirect.gather [hbm4b:s1+s19], $0x80, s0, s19, $0xb8;
	[tilespmem:$0x1E080] =	vst v63  }
0x4c: {  	_ =	swait.ge [sflag:s22], $0x3E80  }
0x4d: {  	[sflag:s22] =	ssyncset.done $0x0  }
0x4e: {  	s4 =	sadd.s32 $0x1400, s29;
	[sflag:s22] =	ssyncadd.s32 $0xFFFFC180  }
0x4f: {  	[spmem:s2] =	stream.indirect.scatter.add.f32 [tilespmem:s20], [sflag:$0x4], $0x80, s4, s19, $0xb8;
	[tilespmem:$0x1E080] =	vst v63  }
0x50: {  	_ =	swait.ge [sflag:s17], $0x3E80  }
0x51: {  	[sflag:s17] =	ssyncset.done $0x0  }
0x52: {  	s31 =	sadd.s32 $0x100, s29;
	[sflag:s17] =	ssyncadd.s32 $0xFFFFC180  }
0x53: {  	[tilespmem:s20], [sflag:$0x1] =	stream.indirect.gather [hbm4b:s1+s19], $0x80, s31, s19, $0xb8;
	[tilespmem:$0x1E080] =	vst v63  }
0x54: {  	_ =	swait.ge [sflag:s23], $0x3E80  }
0x55: {  	[sflag:s23] =	ssyncset.done $0x0  }
0x56: {  	s4 =	sadd.s32 $0x1480, s29;
	[sflag:s23] =	ssyncadd.s32 $0xFFFFC180  }
0x57: {  	[spmem:s2] =	stream.indirect.scatter.add.f32 [tilespmem:s21], [sflag:$0x4], $0x80, s4, s19, $0xb8;
	[tilespmem:$0x1E080] =	vst v63  }
0x58: {  	_ =	swait.ge [sflag:s17], $0x3E80  }
0x59: {  	[sflag:s17] =	ssyncset.done $0x0  }
0x5a: {  	[sflag:s17] =	ssyncadd.s32 $0xFFFFC180  }
0x5b: {  	[tilespmem:s21], [sflag:$0x2] =	stream.indirect.gather [hbm4b:s1+s19], $0x80, s24, s19, $0xb8;
	[tilespmem:$0x1E080] =	vst v63  }
0x5c: {  	_ =	swait.ge [sflag:s22], $0x3E80  }
0x5d: {  	[sflag:s22] =	ssyncset.done $0x0  }
0x5e: {  	[sflag:s22] =	ssyncadd.s32 $0xFFFFC180  }
0x5f: {  	[spmem:s2] =	stream.indirect.scatter.add.f32 [tilespmem:s20], [sflag:$0x4], $0x80, s25, s19, $0xb8;
	[tilespmem:$0x1E080] =	vst v63  }
0x60: {  	_ =	swait.ge [sflag:s17], $0x3E80  }
0x61: {  	[sflag:s17] =	ssyncset.done $0x0  }
0x62: {  	[sflag:s17] =	ssyncadd.s32 $0xFFFFC180  }
0x63: {  	_ =	swait.ge [sflag:s23], $0x3E80  }
0x64: {  	[sflag:s23] =	ssyncset.done $0x0  }
0x65: {  	[sflag:s23] =	ssyncadd.s32 $0xFFFFC180  }
0x66: {  	[spmem:s2] =	stream.indirect.scatter.add.f32 [tilespmem:s21], [sflag:$0x4], $0x80, s26, s19, $0xb8;
	[tilespmem:$0x1E080] =	vst v63  }
0x67: {  	_ =	swait.ge [sflag:s17], $0x3E80  }
0x68: {  	[sflag:s17] =	ssyncset.done $0x0  }
0x69: {  	s31 =	simm.s32 $0x0;
	[sflag:s17] =	ssyncadd.s32 $0xFFFFC180  }
0x6a: {  	[tilespmem:s31], [sflag:$0x4] =	stream.linear.gather [hbm4b:s8+s31], $0x1400, $0x38;
	[tilespmem:$0x1E080] =	vst v63  }
0x6b: {  	_ =	swait.ge [sflag:s17], $0x1400  }
0x6c: {  	[sflag:s17] =	ssyncset.done $0x0  }
0x6d: {  	[sflag:s17] =	ssyncadd.s32 $0xFFFFEC00  }
0x6e: {  	[tilespmem:s18], [sflag:$0x4] =	stream.linear.gather [hbm4b:s9+s31], $0x1400, $0x38;
	[tilespmem:$0x1E080] =	vst v63  }
0x6f: {  	_ =	swait.ge [sflag:s17], $0x1400  }
0x70: {  	[sflag:s17] =	ssyncset.done $0x0  }
0x71: {  	[sflag:s17] =	ssyncadd.s32 $0xFFFFEC00  }
0x72: {  	[tilespmem:s20], [sflag:$0x1] =	stream.indirect.gather [hbm4b:s1+s19], $0x80, s31, s19, $0xb8;
	[tilespmem:$0x1E080] =	vst v63  }
0x73: {  	s4 =	simm.s32 $0x80  }
0x74: {  	[tilespmem:s21], [sflag:$0x2] =	stream.indirect.gather [hbm4b:s1+s19], $0x80, s4, s19, $0xb8;
	[tilespmem:$0x1E080] =	vst v63  }
0x75: {  	_ =	swait.ge [sflag:s22], $0x3E80  }
0x76: {  	[sflag:s22] =	ssyncset.done $0x0  }
0x77: {  	s31 =	simm.s32 $0x1400;
	[sflag:s22] =	ssyncadd.s32 $0xFFFFC180  }
0x78: {  	[spmem:s2] =	stream.indirect.scatter.add.f32 [tilespmem:s20], [sflag:$0x4], $0x80, s31, s19, $0xb8;
	[tilespmem:$0x1E080] =	vst v63  }
0x79: {  	_ =	swait.ge [sflag:s17], $0x3E80  }
0x7a: {  	[sflag:s17] =	ssyncset.done $0x0  }
0x7b: {  	s4 =	simm.s32 $0x100;
	[sflag:s17] =	ssyncadd.s32 $0xFFFFC180  }
0x7c: {  	[tilespmem:s20], [sflag:$0x1] =	stream.indirect.gather [hbm4b:s1+s19], $0x80, s4, s19, $0xb8;
	[tilespmem:$0x1E080] =	vst v63  }
0x7d: {  	_ =	swait.ge [sflag:s23], $0x3E80  }
0x7e: {  	[sflag:s23] =	ssyncset.done $0x0  }
0x7f: {  	s31 =	simm.s32 $0x1480;
	[sflag:s23] =	ssyncadd.s32 $0xFFFFC180  }
0x80: {  	[spmem:s2] =	stream.indirect.scatter.add.f32 [tilespmem:s21], [sflag:$0x4], $0x80, s31, s19, $0xb8;
	[tilespmem:$0x1E080] =	vst v63  }
0x81: {  	_ =	swait.ge [sflag:s17], $0x3E80  }
0x82: {  	s30 =	simm.s32 $0x800;
	s29 =	simm.s32 $0x100;
	[sflag:s17] =	ssyncset.done $0x0  }
.LBB2_4:
0x83: {  	s0 =	sadd.s32 $0x80, s29  }
0x84: {  	[sflag:s17] =	ssyncadd.s32 $0xFFFFC180;
	s4 =	smov.u32 s30;
	s31 =	sadd.s32 $0x400, s30  }
0x85: {  	[tilespmem:s21], [sflag:$0x2] =	stream.indirect.gather [hbm4b:s1+s19], $0x80, s0, s19, $0xb8;
	[tilespmem:$0x1E080] =	vst v63  }
0x86: {  	p1 =	sne.s32 s30, $0x4800;
	_ =	swait.ge [sflag:s22], $0x3E80  }
0x87: {  	[sflag:s22] =	ssyncset.done $0x0  }
0x88: {  	s0 =	sadd.s32 $0x1400, s29;
	[sflag:s22] =	ssyncadd.s32 $0xFFFFC180  }
0x89: {  	[spmem:s2] =	stream.indirect.scatter.add.f32 [tilespmem:s20], [sflag:$0x4], $0x80, s0, s19, $0xb8;
	[tilespmem:$0x1E080] =	vst v63  }
0x8a: {  	_ =	swait.ge [sflag:s17], $0x3E80  }
0x8b: {  	[sflag:s17] =	ssyncset.done $0x0  }
0x8c: {  	s0 =	sadd.s32 $0x100, s29;
	[sflag:s17] =	ssyncadd.s32 $0xFFFFC180  }
0x8d: {  	[tilespmem:s20], [sflag:$0x1] =	stream.indirect.gather [hbm4b:s1+s19], $0x80, s0, s19, $0xb8;
	[tilespmem:$0x1E080] =	vst v63  }
0x8e: {  	_ =	swait.ge [sflag:s23], $0x3E80  }
.Ltmp1:
0x8f: {  	[sflag:s23] =	ssyncset.done $0x0;
	(pc) =	sbr.rel @p1 .LBB2_4-.Ltmp1, $4  }
0x90: {  	s0 =	sadd.s32 $0x1480, s29;
	[sflag:s23] =	ssyncadd.s32 $0xFFFFC180  }
0x91: {  	[spmem:s2] =	stream.indirect.scatter.add.f32 [tilespmem:s21], [sflag:$0x4], $0x80, s0, s19, $0xb8;
	[tilespmem:$0x1E080] =	vst v63  }
0x92: {  	_ =	swait.ge [sflag:s17], $0x3E80  }
0x93: {  	s30 =	smov.u32 s31;
	s29 =	sshra.s32 s4, $0x2;
	[sflag:s17] =	ssyncset.done $0x0  }
0x94: {  	s0 =	sadd.s32 $0x80, s29;
	[sflag:s17] =	ssyncadd.s32 $0xFFFFC180  }
0x95: {  	[tilespmem:s21], [sflag:$0x2] =	stream.indirect.gather [hbm4b:s1+s19], $0x80, s0, s19, $0xb8;
	[tilespmem:$0x1E080] =	vst v63  }
0x96: {  	_ =	swait.ge [sflag:s22], $0x3E80  }
0x97: {  	[sflag:s22] =	ssyncset.done $0x0  }
0x98: {  	s4 =	sadd.s32 $0x1400, s29;
	[sflag:s22] =	ssyncadd.s32 $0xFFFFC180  }
0x99: {  	[spmem:s2] =	stream.indirect.scatter.add.f32 [tilespmem:s20], [sflag:$0x4], $0x80, s4, s19, $0xb8;
	[tilespmem:$0x1E080] =	vst v63  }
0x9a: {  	_ =	swait.ge [sflag:s17], $0x3E80  }
0x9b: {  	[sflag:s17] =	ssyncset.done $0x0  }
0x9c: {  	s30 =	sadd.s32 $0x100, s29;
	[sflag:s17] =	ssyncadd.s32 $0xFFFFC180  }
0x9d: {  	[tilespmem:s20], [sflag:$0x1] =	stream.indirect.gather [hbm4b:s1+s19], $0x80, s30, s19, $0xb8;
	[tilespmem:$0x1E080] =	vst v63  }
0x9e: {  	_ =	swait.ge [sflag:s23], $0x3E80  }
0x9f: {  	[sflag:s23] =	ssyncset.done $0x0  }
0xa0: {  	s31 =	sadd.s32 $0x1480, s29;
	[sflag:s23] =	ssyncadd.s32 $0xFFFFC180  }
0xa1: {  	[spmem:s2] =	stream.indirect.scatter.add.f32 [tilespmem:s21], [sflag:$0x4], $0x80, s31, s19, $0xb8;
	[tilespmem:$0x1E080] =	vst v63  }
0xa2: {  	_ =	swait.ge [sflag:s17], $0x3E80  }
0xa3: {  	[sflag:s17] =	ssyncset.done $0x0  }
0xa4: {  	[sflag:s17] =	ssyncadd.s32 $0xFFFFC180  }
0xa5: {  	[tilespmem:s21], [sflag:$0x2] =	stream.indirect.gather [hbm4b:s1+s19], $0x80, s24, s19, $0xb8;
	[tilespmem:$0x1E080] =	vst v63  }
0xa6: {  	_ =	swait.ge [sflag:s22], $0x3E80  }
0xa7: {  	[sflag:s22] =	ssyncset.done $0x0  }
0xa8: {  	[sflag:s22] =	ssyncadd.s32 $0xFFFFC180  }
0xa9: {  	[spmem:s2] =	stream.indirect.scatter.add.f32 [tilespmem:s20], [sflag:$0x4], $0x80, s25, s19, $0xb8;
	[tilespmem:$0x1E080] =	vst v63  }
0xaa: {  	_ =	swait.ge [sflag:s17], $0x3E80  }
0xab: {  	[sflag:s17] =	ssyncset.done $0x0  }
0xac: {  	[sflag:s17] =	ssyncadd.s32 $0xFFFFC180  }
0xad: {  	_ =	swait.ge [sflag:s23], $0x3E80  }
0xae: {  	[sflag:s23] =	ssyncset.done $0x0  }
0xaf: {  	[sflag:s23] =	ssyncadd.s32 $0xFFFFC180  }
0xb0: {  	[spmem:s2] =	stream.indirect.scatter.add.f32 [tilespmem:s21], [sflag:$0x4], $0x80, s26, s19, $0xb8;
	[tilespmem:$0x1E080] =	vst v63  }
0xb1: {  	_ =	swait.ge [sflag:s17], $0x3E80  }
0xb2: {  	[sflag:s17] =	ssyncset.done $0x0  }
0xb3: {  	[sflag:s17] =	ssyncadd.s32 $0xFFFFC180  }
0xb4: {  	s0 =	simm.s32 @p0 $0x1FC4;
	[bflag:$0x0] =	sbarrier.arrive $0xFFFF  }
0xb5: {  	[hbm:s11], [sflag:s0] =	dma.local @p0 [spmem:s14], $0x2080  }
0xb6: {  	s0 =	simm.s32 @p0 $0x4  }
0xb7: {  	_ =	swait.ge @p0 [sflag:s0], $0x2080  }
0xb8: {  	s28 =	sadd.s32 $0x1, s28;
	[sflag:s0] =	ssyncset.done @p0 $0x0  }
0xb9: {  	p1 =	sne.s32 s28, s13;
	[sflag:s0] =	ssyncadd.s32 @p0 $0xFFFFDF80;
	s0 =	sor.u32 @!p0 $0x1C04, s12  }
0xba: {  	[hbm:s10], [sflag:s0] =	dma.local @!p0 [spmem:s16], $0x2780  }
.Ltmp2:
0xbb: {  	_ = 	snop;
	(pc) =	sbr.rel @p1 .LBB2_1-.Ltmp2, $4  }
0xbc: {  	s0 =	simm.s32 @!p0 $0x4  }
0xbd: {  	_ =	swait.ge @!p0 [sflag:s0], $0x2780  }
0xbe: {  	[sflag:s0] =	ssyncset.done @!p0 $0x0  }
0xbf: {  	[sflag:s0] =	ssyncadd.s32 @!p0 $0xFFFFD880  }
0xc0: {  	_ =	sfence.sel $0x180000  }
0xc1: {  	[bflag:$0x0] =	sbarrier.arrive $0xFFFF  }
0xc2: {  	_ =	strace $0x9000004A  }
0xc3: {  	s0 =	stileid.u32;
	[bflag:$0x2] =	sbarrier.arrive $0xFFFF  }
0xc4: {  	p0 =	sne.s32 s0, $0x0;
	s0 =	rddreg [dreg:$0x3]  }
0xc5: {  	s0 =	sadd.s32 @!p0 $0x100000, s0  }
0xc6: {  	[sflag:s0] =	ssyncadd.tile.s32 @!p0 $0x1;
	_ =	shalt  }
.Lfunc_end2:
_tile_overlayer_lowered:
.L_overlay_start_2:
0xc7: {  	(tag) =	ssettag $0x2  }
0xc8: {  	s0 =	rddreg [dreg:$0x0];
	s2 =	stileid.u32  }
0xc9: {  	s1 =	rddreg [dreg:$0x1];
	p0 =	sne.s32 s2, $0x0  }
0xca: {  	s3 =	rddreg [dreg:$0x2];
	[bflag:$0x3] =	sbarrier.arrive $0xFFFF;
	s2 =	simm.s32 @!p0 $0x1C04  }
0xcb: {  	[timem:s3], [sflag:s2] =	dma.local @!p0 [hbm:s0], s1  }
0xcc: {  	s0 =	simm.s32 @!p0 $0x4  }
0xcd: {  	_ =	swait.ge @!p0 [sflag:s0], s1  }
0xce: {  	s1 =	ssub.s32 @!p0 $0x0, s1;
	[sflag:s0] =	ssyncset.done @!p0 $0x0  }
0xcf: {  	[sflag:s0] =	ssyncadd.s32 @!p0 s1  }
0xd0: {  	[bflag:$0x3] =	sbarrier.arrive $0xFFFF  }
0xd1: {  	_ =	shalt  }

</sc_bundles>
